<compile_context>
chip_gen: v7x
topology: tpu7x:2x2x1
jax: 0.10.2.dev20260603
libtpu: 0.0.44.dev20260713+nightly
codegen_flags: <defaults>
</compile_context>

<pallas_src>
import functools

import jax
import jax.numpy as jnp
from jax import lax
from jax.experimental import pallas as pl
from jax.experimental.pallas import tpu as pltpu
from jax.experimental.pallas import tpu_sc as plsc


def _make_gather(N, V, D, NC, NS, chunk):
    NW = NC * NS
    n_per_w = N // NW
    n_chunks = n_per_w // chunk
    mesh = plsc.VectorSubcoreMesh(core_axis_name="c", subcore_axis_name="s")

    NBUF = 4
    LOOK = 2

    @functools.partial(
        pl.kernel,
        out_type=jax.ShapeDtypeStruct((N, D), jnp.float32),
        mesh=mesh,
        scratch_types=[
            pltpu.VMEM((n_per_w,), jnp.int32),
            pltpu.VMEM((NBUF, chunk, D), jnp.float32),
            [pltpu.SemaphoreType.DMA] * NBUF,
            [pltpu.SemaphoreType.DMA] * NBUF,
        ],
    )
    def gather_kernel(idx_hbm, table_hbm, out_hbm, idx_v, rows_v, gsems, ssems):
        sid = lax.axis_index("s")
        wid = sid * NC + lax.axis_index("c")
        base = wid * n_per_w
        pltpu.sync_copy(idx_hbm.at[pl.ds(base, n_per_w)], idx_v)

        def gather_start(i, b):
            off = pl.multiple_of(i * chunk, chunk)
            return pltpu.async_copy(
                table_hbm.at[idx_v.at[pl.ds(off, chunk)]], rows_v.at[b], gsems[b]
            )

        def gather_wait(i, b):
            off = pl.multiple_of(i * chunk, chunk)
            pltpu.make_async_copy(
                table_hbm.at[idx_v.at[pl.ds(off, chunk)]], rows_v.at[b], gsems[b]
            ).wait()

        def scatter_start(i, b):
            off = pl.multiple_of(i * chunk, chunk)
            return pltpu.async_copy(
                rows_v.at[b], out_hbm.at[pl.ds(base + off, chunk)], ssems[b]
            )

        def scatter_wait(i, b):
            off = pl.multiple_of(i * chunk, chunk)
            pltpu.make_async_copy(
                rows_v.at[b], out_hbm.at[pl.ds(base + off, chunk)], ssems[b]
            ).wait()

        gather_start(0, 0)
        gather_start(1, 1)
        for j in range(LOOK):
            gather_start(j + LOOK, (j + LOOK) % NBUF)
            gather_wait(j, j % NBUF)
            scatter_start(j, j % NBUF)

        @pl.loop(LOOK, n_chunks - LOOK, step=NBUF)
        def _(i):
            for t in range(NBUF):
                j = i + t
                b = (LOOK + t) % NBUF
                bp = (LOOK + t + LOOK) % NBUF
                scatter_wait(j - LOOK, bp)
                gather_start(j + LOOK, bp)
                gather_wait(j, b)
                scatter_start(j, b)

        for j in range(n_chunks - LOOK, n_chunks):
            gather_wait(j, j % NBUF)
            scatter_start(j, j % NBUF)
        for j in range(n_chunks - NBUF, n_chunks):
            scatter_wait(j, j % NBUF)

    return gather_kernel


def kernel(positions, position_embeddings):
    B, S = positions.shape
    V, D = position_embeddings.shape
    N = B * S
    info = plsc.get_sparse_core_info()
    fn = _make_gather(N, V, D, info.num_cores, info.num_subcores, 32)
    out = fn(positions.reshape(N).astype(jnp.int32), position_embeddings)
    return out.reshape(B, S, D)

# --- scband reference (transcript-rebuilt; emitter-appended) ---
"""Pipeline reference for scband-position-embedding-layer-80479097192699 (READ-ONLY COPY).

The authoritative reference and input builder live on the scoring server;
editing this copy changes nothing except your own understanding.
"""

import jax, jax.numpy as jnp
import numpy as np

NUM_PATCHES = 576
EMBED_DIM = 768
BATCH = 256

def setup_inputs(seed: int = 0) -> dict:
    key = jax.random.key(seed)
    k1, k2 = jax.random.split(key)
    positions = jax.random.randint(k1, (BATCH, NUM_PATCHES), 0, NUM_PATCHES, dtype=jnp.int64 if jax.config.jax_enable_x64 else jnp.int32)
    position_embeddings = jax.random.normal(k2, (NUM_PATCHES, EMBED_DIM), dtype=jnp.float32) * 0.05
    return {"positions": positions, "position_embeddings": position_embeddings}

def reference(positions, position_embeddings):
    # tf.gather(self.position_embeddings, positions) -> gather along axis 0
    return jnp.take(position_embeddings, positions, axis=0)

if __name__ == "__main__":
    import jax
    _d = setup_inputs()
    print(jax.jit(kernel)(*tuple(_d.values())))

</pallas_src>

<mosaic_0001>
#map = affine_map<(d0, d1) -> (0)>
#map1 = affine_map<(d0, d1) -> (0, 0)>
module attributes {stable_mosaic.version = 14 : i64} {
  func.func @gather_kernel(%arg0: i32, %arg1: i32, %arg2: memref<147456xi32, #tpu.memory_space<hbm>>, %arg3: memref<576x768xf32, #tpu.memory_space<hbm>>, %arg4: memref<147456x768xf32, #tpu.memory_space<hbm>>, %arg5: memref<4608xi32, #tpu.memory_space<vmem>>, %arg6: memref<4x32x768xf32, #tpu.memory_space<vmem>>, %arg7: memref<!tpu.dma_semaphore, #tpu.memory_space<semaphore_mem>>, %arg8: memref<!tpu.dma_semaphore, #tpu.memory_space<semaphore_mem>>, %arg9: memref<!tpu.dma_semaphore, #tpu.memory_space<semaphore_mem>>, %arg10: memref<!tpu.dma_semaphore, #tpu.memory_space<semaphore_mem>>, %arg11: memref<!tpu.dma_semaphore, #tpu.memory_space<semaphore_mem>>, %arg12: memref<!tpu.dma_semaphore, #tpu.memory_space<semaphore_mem>>, %arg13: memref<!tpu.dma_semaphore, #tpu.memory_space<semaphore_mem>>, %arg14: memref<!tpu.dma_semaphore, #tpu.memory_space<semaphore_mem>>) attributes {dimension_semantics = [#tpu.dimension_semantics<core_parallel>, #tpu.dimension_semantics<subcore_parallel>], iteration_bounds = array<i64: 2, 16>, scalar_prefetch = 0 : i64, scratch_operands = 10 : i64, tpu.core_type = #tpu.core_type<sc_vector_subcore>, window_params = [{transform_indices = #map}, {transform_indices = #map1}, {transform_indices = #map1}]} {
    %mul3A = arith.constant 2 : i32
    %mul3A_0 = arith.muli %arg1, %mul3A : i32
    %add3A = arith.addi %mul3A_0, %arg0 : i32
    %mul3A_1 = arith.constant 4608 : i32
    %mul3A_2 = arith.muli %add3A, %mul3A_1 : i32
    "tpu.region"() ({
      %run_scoped3A = tpu.sem_alloc : memref<!tpu.dma_semaphore, #tpu.memory_space<semaphore_mem>>
      %dma_start3A_220 = tpu.memref_slice %arg2[%mul3A_2] : memref<147456xi32, #tpu.memory_space<hbm>> -> memref<4608xi32, #tpu.memory_space<hbm>>
      %dma_start3A_221 = tpu.memref_slice %arg2[%mul3A_2] : memref<147456xi32, #tpu.memory_space<hbm>> -> memref<4608xi32, #tpu.memory_space<hbm>>
      tpu.enqueue_dma source(%dma_start3A_221 : memref<4608xi32, #tpu.memory_space<hbm>>) target(%arg5 : memref<4608xi32, #tpu.memory_space<vmem>>) target_semaphore(%run_scoped3A : memref<!tpu.dma_semaphore, #tpu.memory_space<semaphore_mem>>)
      %dma_wait3A_222 = tpu.memref_slice %arg2[%mul3A_2] : memref<147456xi32, #tpu.memory_space<hbm>> -> memref<4608xi32, #tpu.memory_space<hbm>>
      %dma_wait3A_223 = tpu.memref_slice %arg2[%mul3A_2] : memref<147456xi32, #tpu.memory_space<hbm>> -> memref<4608xi32, #tpu.memory_space<hbm>>
      tpu.wait_dma2 semaphore(%run_scoped3A : memref<!tpu.dma_semaphore, #tpu.memory_space<semaphore_mem>>) src(%dma_wait3A_223 : memref<4608xi32, #tpu.memory_space<hbm>>) dst(%arg5 : memref<4608xi32, #tpu.memory_space<vmem>>)
      tpu.yield
    }) : () -> ()
    %multiple_of3A = arith.constant 0 : i32
    %multiple_of3A_3 = tpu.assume_multiple %multiple_of3A, 32 : i32
    %dma_start3A = arith.constant 0 : i32
    %dma_start3A_4 = arith.constant 0 : i32
    %dma_start3A_5 = arith.constant 0 : i32
    %dma_start3A_6 = tpu.memref_slice %arg6[%dma_start3A, %dma_start3A_4, %dma_start3A_5] : memref<4x32x768xf32, #tpu.memory_space<vmem>> -> memref<1x32x768xf32, #tpu.memory_space<vmem>>
    %dma_start3A_7 = tpu.memref_squeeze %dma_start3A_6 : memref<1x32x768xf32, #tpu.memory_space<vmem>> -> memref<32x768xf32, #tpu.memory_space<vmem>>
    %dma_start3A_8 = tpu.memref_slice %arg5[%multiple_of3A_3] : memref<4608xi32, #tpu.memory_space<vmem>> -> memref<32xi32, #tpu.memory_space<vmem>>
    %dma_start3A_9 = arith.constant 0 : i32
    %dma_start3A_10 = arith.constant 0 : i32
    %dma_start3A_11 = tpu.memref_slice %arg3[%dma_start3A_9, %dma_start3A_10] : memref<576x768xf32, #tpu.memory_space<hbm>> -> memref<576x768xf32, #tpu.memory_space<hbm>>
    tpu.enqueue_indirect_dma source(%dma_start3A_11 : memref<576x768xf32, #tpu.memory_space<hbm>>) target(%dma_start3A_7 : memref<32x768xf32, #tpu.memory_space<vmem>>) offsets(%dma_start3A_8 : memref<32xi32, #tpu.memory_space<vmem>>) semaphore(%arg7 : memref<!tpu.dma_semaphore, #tpu.memory_space<semaphore_mem>>)
    %multiple_of3A_12 = arith.constant 32 : i32
    %multiple_of3A_13 = tpu.assume_multiple %multiple_of3A_12, 32 : i32
    %dma_start3A_14 = arith.constant 1 : i32
    %dma_start3A_15 = arith.constant 0 : i32
    %dma_start3A_16 = arith.constant 0 : i32
    %dma_start3A_17 = tpu.memref_slice %arg6[%dma_start3A_14, %dma_start3A_15, %dma_start3A_16] : memref<4x32x768xf32, #tpu.memory_space<vmem>> -> memref<1x32x768xf32, #tpu.memory_space<vmem>>
    %dma_start3A_18 = tpu.memref_squeeze %dma_start3A_17 : memref<1x32x768xf32, #tpu.memory_space<vmem>> -> memref<32x768xf32, #tpu.memory_space<vmem>>
    %dma_start3A_19 = tpu.memref_slice %arg5[%multiple_of3A_13] : memref<4608xi32, #tpu.memory_space<vmem>> -> memref<32xi32, #tpu.memory_space<vmem>>
    %dma_start3A_20 = arith.constant 0 : i32
    %dma_start3A_21 = arith.constant 0 : i32
    %dma_start3A_22 = tpu.memref_slice %arg3[%dma_start3A_20, %dma_start3A_21] : memref<576x768xf32, #tpu.memory_space<hbm>> -> memref<576x768xf32, #tpu.memory_space<hbm>>
    tpu.enqueue_indirect_dma source(%dma_start3A_22 : memref<576x768xf32, #tpu.memory_space<hbm>>) target(%dma_start3A_18 : memref<32x768xf32, #tpu.memory_space<vmem>>) offsets(%dma_start3A_19 : memref<32xi32, #tpu.memory_space<vmem>>) semaphore(%arg8 : memref<!tpu.dma_semaphore, #tpu.memory_space<semaphore_mem>>)
    %multiple_of3A_23 = arith.constant 64 : i32
    %multiple_of3A_24 = tpu.assume_multiple %multiple_of3A_23, 32 : i32
    %dma_start3A_25 = arith.constant 2 : i32
    %dma_start3A_26 = arith.constant 0 : i32
    %dma_start3A_27 = arith.constant 0 : i32
    %dma_start3A_28 = tpu.memref_slice %arg6[%dma_start3A_25, %dma_start3A_26, %dma_start3A_27] : memref<4x32x768xf32, #tpu.memory_space<vmem>> -> memref<1x32x768xf32, #tpu.memory_space<vmem>>
    %dma_start3A_29 = tpu.memref_squeeze %dma_start3A_28 : memref<1x32x768xf32, #tpu.memory_space<vmem>> -> memref<32x768xf32, #tpu.memory_space<vmem>>
    %dma_start3A_30 = tpu.memref_slice %arg5[%multiple_of3A_24] : memref<4608xi32, #tpu.memory_space<vmem>> -> memref<32xi32, #tpu.memory_space<vmem>>
    %dma_start3A_31 = arith.constant 0 : i32
    %dma_start3A_32 = arith.constant 0 : i32
    %dma_start3A_33 = tpu.memref_slice %arg3[%dma_start3A_31, %dma_start3A_32] : memref<576x768xf32, #tpu.memory_space<hbm>> -> memref<576x768xf32, #tpu.memory_space<hbm>>
    tpu.enqueue_indirect_dma source(%dma_start3A_33 : memref<576x768xf32, #tpu.memory_space<hbm>>) target(%dma_start3A_29 : memref<32x768xf32, #tpu.memory_space<vmem>>) offsets(%dma_start3A_30 : memref<32xi32, #tpu.memory_space<vmem>>) semaphore(%arg9 : memref<!tpu.dma_semaphore, #tpu.memory_space<semaphore_mem>>)
    %multiple_of3A_34 = arith.constant 0 : i32
    %multiple_of3A_35 = tpu.assume_multiple %multiple_of3A_34, 32 : i32
    %dma_wait3A = arith.constant 0 : i32
    %dma_wait3A_36 = arith.constant 0 : i32
    %dma_wait3A_37 = arith.constant 0 : i32
    %dma_wait3A_38 = tpu.memref_slice %arg6[%dma_wait3A, %dma_wait3A_36, %dma_wait3A_37] : memref<4x32x768xf32, #tpu.memory_space<vmem>> -> memref<1x32x768xf32, #tpu.memory_space<vmem>>
    %dma_wait3A_39 = tpu.memref_squeeze %dma_wait3A_38 : memref<1x32x768xf32, #tpu.memory_space<vmem>> -> memref<32x768xf32, #tpu.memory_space<vmem>>
    %dma_wait3A_40 = tpu.memref_slice %arg5[%multiple_of3A_35] : memref<4608xi32, #tpu.memory_space<vmem>> -> memref<32xi32, #tpu.memory_space<vmem>>
    %dma_wait3A_41 = arith.constant 0 : i32
    %dma_wait3A_42 = arith.constant 0 : i32
    %dma_wait3A_43 = tpu.memref_slice %arg3[%dma_wait3A_41, %dma_wait3A_42] : memref<576x768xf32, #tpu.memory_space<hbm>> -> memref<576x768xf32, #tpu.memory_space<hbm>>
    tpu.wait_indirect_dma semaphore(%arg7 : memref<!tpu.dma_semaphore, #tpu.memory_space<semaphore_mem>>) src(%dma_wait3A_43 : memref<576x768xf32, #tpu.memory_space<hbm>>) dst(%dma_wait3A_39 : memref<32x768xf32, #tpu.memory_space<vmem>>)
    %multiple_of3A_44 = arith.constant 0 : i32
    %multiple_of3A_45 = tpu.assume_multiple %multiple_of3A_44, 32 : i32
    %add3A_46 = arith.addi %mul3A_2, %multiple_of3A_45 : i32
    %dma_start3A_47 = arith.constant 0 : i32
    %dma_start3A_48 = arith.constant 0 : i32
    %dma_start3A_49 = arith.constant 0 : i32
    %dma_start3A_50 = tpu.memref_slice %arg6[%dma_start3A_47, %dma_start3A_48, %dma_start3A_49] : memref<4x32x768xf32, #tpu.memory_space<vmem>> -> memref<1x32x768xf32, #tpu.memory_space<vmem>>
    %dma_start3A_51 = tpu.memref_squeeze %dma_start3A_50 : memref<1x32x768xf32, #tpu.memory_space<vmem>> -> memref<32x768xf32, #tpu.memory_space<vmem>>
    %dma_start3A_52 = arith.constant 0 : i32
    %dma_start3A_53 = tpu.memref_slice %arg4[%add3A_46, %dma_start3A_52] : memref<147456x768xf32, #tpu.memory_space<hbm>> -> memref<32x768xf32, #tpu.memory_space<hbm>>
    %dma_start3A_54 = arith.constant 0 : i32
    %dma_start3A_55 = tpu.memref_slice %arg4[%add3A_46, %dma_start3A_54] : memref<147456x768xf32, #tpu.memory_space<hbm>> -> memref<32x768xf32, #tpu.memory_space<hbm>>
    %dma_start3A_56 = arith.constant 0 : i32
    %dma_start3A_57 = arith.constant 0 : i32
    %dma_start3A_58 = tpu.memref_slice %arg6[%dma_start3A_47, %dma_start3A_56, %dma_start3A_57] : memref<4x32x768xf32, #tpu.memory_space<vmem>> -> memref<1x32x768xf32, #tpu.memory_space<vmem>>
    %dma_start3A_59 = tpu.memref_squeeze %dma_start3A_58 : memref<1x32x768xf32, #tpu.memory_space<vmem>> -> memref<32x768xf32, #tpu.memory_space<vmem>>
    tpu.enqueue_dma source(%dma_start3A_59 : memref<32x768xf32, #tpu.memory_space<vmem>>) target(%dma_start3A_55 : memref<32x768xf32, #tpu.memory_space<hbm>>) target_semaphore(%arg11 : memref<!tpu.dma_semaphore, #tpu.memory_space<semaphore_mem>>)
    %multiple_of3A_60 = arith.constant 96 : i32
    %multiple_of3A_61 = tpu.assume_multiple %multiple_of3A_60, 32 : i32
    %dma_start3A_62 = arith.constant 3 : i32
    %dma_start3A_63 = arith.constant 0 : i32
    %dma_start3A_64 = arith.constant 0 : i32
    %dma_start3A_65 = tpu.memref_slice %arg6[%dma_start3A_62, %dma_start3A_63, %dma_start3A_64] : memref<4x32x768xf32, #tpu.memory_space<vmem>> -> memref<1x32x768xf32, #tpu.memory_space<vmem>>
    %dma_start3A_66 = tpu.memref_squeeze %dma_start3A_65 : memref<1x32x768xf32, #tpu.memory_space<vmem>> -> memref<32x768xf32, #tpu.memory_space<vmem>>
    %dma_start3A_67 = tpu.memref_slice %arg5[%multiple_of3A_61] : memref<4608xi32, #tpu.memory_space<vmem>> -> memref<32xi32, #tpu.memory_space<vmem>>
    %dma_start3A_68 = arith.constant 0 : i32
    %dma_start3A_69 = arith.constant 0 : i32
    %dma_start3A_70 = tpu.memref_slice %arg3[%dma_start3A_68, %dma_start3A_69] : memref<576x768xf32, #tpu.memory_space<hbm>> -> memref<576x768xf32, #tpu.memory_space<hbm>>
    tpu.enqueue_indirect_dma source(%dma_start3A_70 : memref<576x768xf32, #tpu.memory_space<hbm>>) target(%dma_start3A_66 : memref<32x768xf32, #tpu.memory_space<vmem>>) offsets(%dma_start3A_67 : memref<32xi32, #tpu.memory_space<vmem>>) semaphore(%arg10 : memref<!tpu.dma_semaphore, #tpu.memory_space<semaphore_mem>>)
    %multiple_of3A_71 = arith.constant 32 : i32
    %multiple_of3A_72 = tpu.assume_multiple %multiple_of3A_71, 32 : i32
    %dma_wait3A_73 = arith.constant 1 : i32
    %dma_wait3A_74 = arith.constant 0 : i32
    %dma_wait3A_75 = arith.constant 0 : i32
    %dma_wait3A_76 = tpu.memref_slice %arg6[%dma_wait3A_73, %dma_wait3A_74, %dma_wait3A_75] : memref<4x32x768xf32, #tpu.memory_space<vmem>> -> memref<1x32x768xf32, #tpu.memory_space<vmem>>
    %dma_wait3A_77 = tpu.memref_squeeze %dma_wait3A_76 : memref<1x32x768xf32, #tpu.memory_space<vmem>> -> memref<32x768xf32, #tpu.memory_space<vmem>>
    %dma_wait3A_78 = tpu.memref_slice %arg5[%multiple_of3A_72] : memref<4608xi32, #tpu.memory_space<vmem>> -> memref<32xi32, #tpu.memory_space<vmem>>
    %dma_wait3A_79 = arith.constant 0 : i32
    %dma_wait3A_80 = arith.constant 0 : i32
    %dma_wait3A_81 = tpu.memref_slice %arg3[%dma_wait3A_79, %dma_wait3A_80] : memref<576x768xf32, #tpu.memory_space<hbm>> -> memref<576x768xf32, #tpu.memory_space<hbm>>
    tpu.wait_indirect_dma semaphore(%arg8 : memref<!tpu.dma_semaphore, #tpu.memory_space<semaphore_mem>>) src(%dma_wait3A_81 : memref<576x768xf32, #tpu.memory_space<hbm>>) dst(%dma_wait3A_77 : memref<32x768xf32, #tpu.memory_space<vmem>>)
    %multiple_of3A_82 = arith.constant 32 : i32
    %multiple_of3A_83 = tpu.assume_multiple %multiple_of3A_82, 32 : i32
    %add3A_84 = arith.addi %mul3A_2, %multiple_of3A_83 : i32
    %dma_start3A_85 = arith.constant 1 : i32
    %dma_start3A_86 = arith.constant 0 : i32
    %dma_start3A_87 = arith.constant 0 : i32
    %dma_start3A_88 = tpu.memref_slice %arg6[%dma_start3A_85, %dma_start3A_86, %dma_start3A_87] : memref<4x32x768xf32, #tpu.memory_space<vmem>> -> memref<1x32x768xf32, #tpu.memory_space<vmem>>
    %dma_start3A_89 = tpu.memref_squeeze %dma_start3A_88 : memref<1x32x768xf32, #tpu.memory_space<vmem>> -> memref<32x768xf32, #tpu.memory_space<vmem>>
    %dma_start3A_90 = arith.constant 0 : i32
    %dma_start3A_91 = tpu.memref_slice %arg4[%add3A_84, %dma_start3A_90] : memref<147456x768xf32, #tpu.memory_space<hbm>> -> memref<32x768xf32, #tpu.memory_space<hbm>>
    %dma_start3A_92 = arith.constant 0 : i32
    %dma_start3A_93 = tpu.memref_slice %arg4[%add3A_84, %dma_start3A_92] : memref<147456x768xf32, #tpu.memory_space<hbm>> -> memref<32x768xf32, #tpu.memory_space<hbm>>
    %dma_start3A_94 = arith.constant 0 : i32
    %dma_start3A_95 = arith.constant 0 : i32
    %dma_start3A_96 = tpu.memref_slice %arg6[%dma_start3A_85, %dma_start3A_94, %dma_start3A_95] : memref<4x32x768xf32, #tpu.memory_space<vmem>> -> memref<1x32x768xf32, #tpu.memory_space<vmem>>
    %dma_start3A_97 = tpu.memref_squeeze %dma_start3A_96 : memref<1x32x768xf32, #tpu.memory_space<vmem>> -> memref<32x768xf32, #tpu.memory_space<vmem>>
    tpu.enqueue_dma source(%dma_start3A_97 : memref<32x768xf32, #tpu.memory_space<vmem>>) target(%dma_start3A_93 : memref<32x768xf32, #tpu.memory_space<hbm>>) target_semaphore(%arg12 : memref<!tpu.dma_semaphore, #tpu.memory_space<semaphore_mem>>)
    %scan3A = arith.constant 0 : i32
    %scan3A_98 = arith.constant 35 : i32
    %scan3A_99 = arith.addi %scan3A, %scan3A_98 : i32
    %scan3A_100 = arith.constant 1 : i32
    scf.for %scan3A_220 = %scan3A to %scan3A_99 step %scan3A_100  : i32 {
      %mul3A_221 = arith.constant 4 : i32
      %mul3A_222 = arith.muli %scan3A_220, %mul3A_221 : i32
      %add3A_223 = arith.constant 2 : i32
      %add3A_224 = arith.addi %add3A_223, %mul3A_222 : i32
      %add3A_225 = arith.constant 0 : i32
      %add3A_226 = arith.addi %add3A_224, %add3A_225 : i32
      %sub3A = arith.constant 2 : i32
      %sub3A_227 = arith.subi %add3A_226, %sub3A : i32
      %mul3A_228 = arith.constant 32 : i32
      %mul3A_229 = arith.muli %sub3A_227, %mul3A_228 : i32
      %multiple_of3A_230 = tpu.assume_multiple %mul3A_229, 32 : i32
      %add3A_231 = arith.addi %mul3A_2, %multiple_of3A_230 : i32
      %dma_wait3A_232 = arith.constant 0 : i32
      %dma_wait3A_233 = arith.constant 0 : i32
      %dma_wait3A_234 = arith.constant 0 : i32
      %dma_wait3A_235 = tpu.memref_slice %arg6[%dma_wait3A_232, %dma_wait3A_233, %dma_wait3A_234] : memref<4x32x768xf32, #tpu.memory_space<vmem>> -> memref<1x32x768xf32, #tpu.memory_space<vmem>>
      %dma_wait3A_236 = tpu.memref_squeeze %dma_wait3A_235 : memref<1x32x768xf32, #tpu.memory_space<vmem>> -> memref<32x768xf32, #tpu.memory_space<vmem>>
      %dma_wait3A_237 = arith.constant 0 : i32
      %dma_wait3A_238 = tpu.memref_slice %arg4[%add3A_231, %dma_wait3A_237] : memref<147456x768xf32, #tpu.memory_space<hbm>> -> memref<32x768xf32, #tpu.memory_space<hbm>>
      %dma_wait3A_239 = arith.constant 0 : i32
      %dma_wait3A_240 = tpu.memref_slice %arg4[%add3A_231, %dma_wait3A_239] : memref<147456x768xf32, #tpu.memory_space<hbm>> -> memref<32x768xf32, #tpu.memory_space<hbm>>
      %dma_wait3A_241 = arith.constant 0 : i32
      %dma_wait3A_242 = arith.constant 0 : i32
      %dma_wait3A_243 = tpu.memref_slice %arg6[%dma_wait3A_232, %dma_wait3A_241, %dma_wait3A_242] : memref<4x32x768xf32, #tpu.memory_space<vmem>> -> memref<1x32x768xf32, #tpu.memory_space<vmem>>
      %dma_wait3A_244 = tpu.memref_squeeze %dma_wait3A_243 : memref<1x32x768xf32, #tpu.memory_space<vmem>> -> memref<32x768xf32, #tpu.memory_space<vmem>>
      tpu.wait_dma2 semaphore(%arg11 : memref<!tpu.dma_semaphore, #tpu.memory_space<semaphore_mem>>) src(%dma_wait3A_244 : memref<32x768xf32, #tpu.memory_space<vmem>>) dst(%dma_wait3A_240 : memref<32x768xf32, #tpu.memory_space<hbm>>)
      %add3A_245 = arith.constant 2 : i32
      %add3A_246 = arith.addi %add3A_226, %add3A_245 : i32
      %mul3A_247 = arith.constant 32 : i32
      %mul3A_248 = arith.muli %add3A_246, %mul3A_247 : i32
      %multiple_of3A_249 = tpu.assume_multiple %mul3A_248, 32 : i32
      %dma_start3A_250 = arith.constant 0 : i32
      %dma_start3A_251 = arith.constant 0 : i32
      %dma_start3A_252 = arith.constant 0 : i32
      %dma_start3A_253 = tpu.memref_slice %arg6[%dma_start3A_250, %dma_start3A_251, %dma_start3A_252] : memref<4x32x768xf32, #tpu.memory_space<vmem>> -> memref<1x32x768xf32, #tpu.memory_space<vmem>>
      %dma_start3A_254 = tpu.memref_squeeze %dma_start3A_253 : memref<1x32x768xf32, #tpu.memory_space<vmem>> -> memref<32x768xf32, #tpu.memory_space<vmem>>
      %dma_start3A_255 = tpu.memref_slice %arg5[%multiple_of3A_249] : memref<4608xi32, #tpu.memory_space<vmem>> -> memref<32xi32, #tpu.memory_space<vmem>>
      %dma_start3A_256 = arith.constant 0 : i32
      %dma_start3A_257 = arith.constant 0 : i32
      %dma_start3A_258 = tpu.memref_slice %arg3[%dma_start3A_256, %dma_start3A_257] : memref<576x768xf32, #tpu.memory_space<hbm>> -> memref<576x768xf32, #tpu.memory_space<hbm>>
      tpu.enqueue_indirect_dma source(%dma_start3A_258 : memref<576x768xf32, #tpu.memory_space<hbm>>) target(%dma_start3A_254 : memref<32x768xf32, #tpu.memory_space<vmem>>) offsets(%dma_start3A_255 : memref<32xi32, #tpu.memory_space<vmem>>) semaphore(%arg7 : memref<!tpu.dma_semaphore, #tpu.memory_space<semaphore_mem>>)
      %mul3A_259 = arith.constant 32 : i32
      %mul3A_260 = arith.muli %add3A_226, %mul3A_259 : i32
      %multiple_of3A_261 = tpu.assume_multiple %mul3A_260, 32 : i32
      %dma_wait3A_262 = arith.constant 2 : i32
      %dma_wait3A_263 = arith.constant 0 : i32
      %dma_wait3A_264 = arith.constant 0 : i32
      %dma_wait3A_265 = tpu.memref_slice %arg6[%dma_wait3A_262, %dma_wait3A_263, %dma_wait3A_264] : memref<4x32x768xf32, #tpu.memory_space<vmem>> -> memref<1x32x768xf32, #tpu.memory_space<vmem>>
      %dma_wait3A_266 = tpu.memref_squeeze %dma_wait3A_265 : memref<1x32x768xf32, #tpu.memory_space<vmem>> -> memref<32x768xf32, #tpu.memory_space<vmem>>
      %dma_wait3A_267 = tpu.memref_slice %arg5[%multiple_of3A_261] : memref<4608xi32, #tpu.memory_space<vmem>> -> memref<32xi32, #tpu.memory_space<vmem>>
      %dma_wait3A_268 = arith.constant 0 : i32
      %dma_wait3A_269 = arith.constant 0 : i32
      %dma_wait3A_270 = tpu.memref_slice %arg3[%dma_wait3A_268, %dma_wait3A_269] : memref<576x768xf32, #tpu.memory_space<hbm>> -> memref<576x768xf32, #tpu.memory_space<hbm>>
      tpu.wait_indirect_dma semaphore(%arg9 : memref<!tpu.dma_semaphore, #tpu.memory_space<semaphore_mem>>) src(%dma_wait3A_270 : memref<576x768xf32, #tpu.memory_space<hbm>>) dst(%dma_wait3A_266 : memref<32x768xf32, #tpu.memory_space<vmem>>)
      %mul3A_271 = arith.constant 32 : i32
      %mul3A_272 = arith.muli %add3A_226, %mul3A_271 : i32
      %multiple_of3A_273 = tpu.assume_multiple %mul3A_272, 32 : i32
      %add3A_274 = arith.addi %mul3A_2, %multiple_of3A_273 : i32
      %dma_start3A_275 = arith.constant 2 : i32
      %dma_start3A_276 = arith.constant 0 : i32
      %dma_start3A_277 = arith.constant 0 : i32
      %dma_start3A_278 = tpu.memref_slice %arg6[%dma_start3A_275, %dma_start3A_276, %dma_start3A_277] : memref<4x32x768xf32, #tpu.memory_space<vmem>> -> memref<1x32x768xf32, #tpu.memory_space<vmem>>
      %dma_start3A_279 = tpu.memref_squeeze %dma_start3A_278 : memref<1x32x768xf32, #tpu.memory_space<vmem>> -> memref<32x768xf32, #tpu.memory_space<vmem>>
      %dma_start3A_280 = arith.constant 0 : i32
      %dma_start3A_281 = tpu.memref_slice %arg4[%add3A_274, %dma_start3A_280] : memref<147456x768xf32, #tpu.memory_space<hbm>> -> memref<32x768xf32, #tpu.memory_space<hbm>>
      %dma_start3A_282 = arith.constant 0 : i32
      %dma_start3A_283 = tpu.memref_slice %arg4[%add3A_274, %dma_start3A_282] : memref<147456x768xf32, #tpu.memory_space<hbm>> -> memref<32x768xf32, #tpu.memory_space<hbm>>
      %dma_start3A_284 = arith.constant 0 : i32
      %dma_start3A_285 = arith.constant 0 : i32
      %dma_start3A_286 = tpu.memref_slice %arg6[%dma_start3A_275, %dma_start3A_284, %dma_start3A_285] : memref<4x32x768xf32, #tpu.memory_space<vmem>> -> memref<1x32x768xf32, #tpu.memory_space<vmem>>
      %dma_start3A_287 = tpu.memref_squeeze %dma_start3A_286 : memref<1x32x768xf32, #tpu.memory_space<vmem>> -> memref<32x768xf32, #tpu.memory_space<vmem>>
      tpu.enqueue_dma source(%dma_start3A_287 : memref<32x768xf32, #tpu.memory_space<vmem>>) target(%dma_start3A_283 : memref<32x768xf32, #tpu.memory_space<hbm>>) target_semaphore(%arg13 : memref<!tpu.dma_semaphore, #tpu.memory_space<semaphore_mem>>)
      %add3A_288 = arith.constant 1 : i32
      %add3A_289 = arith.addi %add3A_224, %add3A_288 : i32
      %sub3A_290 = arith.constant 2 : i32
      %sub3A_291 = arith.subi %add3A_289, %sub3A_290 : i32
      %mul3A_292 = arith.constant 32 : i32
      %mul3A_293 = arith.muli %sub3A_291, %mul3A_292 : i32
      %multiple_of3A_294 = tpu.assume_multiple %mul3A_293, 32 : i32
      %add3A_295 = arith.addi %mul3A_2, %multiple_of3A_294 : i32
      %dma_wait3A_296 = arith.constant 1 : i32
      %dma_wait3A_297 = arith.constant 0 : i32
      %dma_wait3A_298 = arith.constant 0 : i32
      %dma_wait3A_299 = tpu.memref_slice %arg6[%dma_wait3A_296, %dma_wait3A_297, %dma_wait3A_298] : memref<4x32x768xf32, #tpu.memory_space<vmem>> -> memref<1x32x768xf32, #tpu.memory_space<vmem>>
      %dma_wait3A_300 = tpu.memref_squeeze %dma_wait3A_299 : memref<1x32x768xf32, #tpu.memory_space<vmem>> -> memref<32x768xf32, #tpu.memory_space<vmem>>
      %dma_wait3A_301 = arith.constant 0 : i32
      %dma_wait3A_302 = tpu.memref_slice %arg4[%add3A_295, %dma_wait3A_301] : memref<147456x768xf32, #tpu.memory_space<hbm>> -> memref<32x768xf32, #tpu.memory_space<hbm>>
      %dma_wait3A_303 = arith.constant 0 : i32
      %dma_wait3A_304 = tpu.memref_slice %arg4[%add3A_295, %dma_wait3A_303] : memref<147456x768xf32, #tpu.memory_space<hbm>> -> memref<32x768xf32, #tpu.memory_space<hbm>>
      %dma_wait3A_305 = arith.constant 0 : i32
      %dma_wait3A_306 = arith.constant 0 : i32
      %dma_wait3A_307 = tpu.memref_slice %arg6[%dma_wait3A_296, %dma_wait3A_305, %dma_wait3A_306] : memref<4x32x768xf32, #tpu.memory_space<vmem>> -> memref<1x32x768xf32, #tpu.memory_space<vmem>>
      %dma_wait3A_308 = tpu.memref_squeeze %dma_wait3A_307 : memref<1x32x768xf32, #tpu.memory_space<vmem>> -> memref<32x768xf32, #tpu.memory_space<vmem>>
      tpu.wait_dma2 semaphore(%arg12 : memref<!tpu.dma_semaphore, #tpu.memory_space<semaphore_mem>>) src(%dma_wait3A_308 : memref<32x768xf32, #tpu.memory_space<vmem>>) dst(%dma_wait3A_304 : memref<32x768xf32, #tpu.memory_space<hbm>>)
      %add3A_309 = arith.constant 2 : i32
      %add3A_310 = arith.addi %add3A_289, %add3A_309 : i32
      %mul3A_311 = arith.constant 32 : i32
      %mul3A_312 = arith.muli %add3A_310, %mul3A_311 : i32
      %multiple_of3A_313 = tpu.assume_multiple %mul3A_312, 32 : i32
      %dma_start3A_314 = arith.constant 1 : i32
      %dma_start3A_315 = arith.constant 0 : i32
      %dma_start3A_316 = arith.constant 0 : i32
      %dma_start3A_317 = tpu.memref_slice %arg6[%dma_start3A_314, %dma_start3A_315, %dma_start3A_316] : memref<4x32x768xf32, #tpu.memory_space<vmem>> -> memref<1x32x768xf32, #tpu.memory_space<vmem>>
      %dma_start3A_318 = tpu.memref_squeeze %dma_start3A_317 : memref<1x32x768xf32, #tpu.memory_space<vmem>> -> memref<32x768xf32, #tpu.memory_space<vmem>>
      %dma_start3A_319 = tpu.memref_slice %arg5[%multiple_of3A_313] : memref<4608xi32, #tpu.memory_space<vmem>> -> memref<32xi32, #tpu.memory_space<vmem>>
      %dma_start3A_320 = arith.constant 0 : i32
      %dma_start3A_321 = arith.constant 0 : i32
      %dma_start3A_322 = tpu.memref_slice %arg3[%dma_start3A_320, %dma_start3A_321] : memref<576x768xf32, #tpu.memory_space<hbm>> -> memref<576x768xf32, #tpu.memory_space<hbm>>
      tpu.enqueue_indirect_dma source(%dma_start3A_322 : memref<576x768xf32, #tpu.memory_space<hbm>>) target(%dma_start3A_318 : memref<32x768xf32, #tpu.memory_space<vmem>>) offsets(%dma_start3A_319 : memref<32xi32, #tpu.memory_space<vmem>>) semaphore(%arg8 : memref<!tpu.dma_semaphore, #tpu.memory_space<semaphore_mem>>)
      %mul3A_323 = arith.constant 32 : i32
      %mul3A_324 = arith.muli %add3A_289, %mul3A_323 : i32
      %multiple_of3A_325 = tpu.assume_multiple %mul3A_324, 32 : i32
      %dma_wait3A_326 = arith.constant 3 : i32
      %dma_wait3A_327 = arith.constant 0 : i32
      %dma_wait3A_328 = arith.constant 0 : i32
      %dma_wait3A_329 = tpu.memref_slice %arg6[%dma_wait3A_326, %dma_wait3A_327, %dma_wait3A_328] : memref<4x32x768xf32, #tpu.memory_space<vmem>> -> memref<1x32x768xf32, #tpu.memory_space<vmem>>
      %dma_wait3A_330 = tpu.memref_squeeze %dma_wait3A_329 : memref<1x32x768xf32, #tpu.memory_space<vmem>> -> memref<32x768xf32, #tpu.memory_space<vmem>>
      %dma_wait3A_331 = tpu.memref_slice %arg5[%multiple_of3A_325] : memref<4608xi32, #tpu.memory_space<vmem>> -> memref<32xi32, #tpu.memory_space<vmem>>
      %dma_wait3A_332 = arith.constant 0 : i32
      %dma_wait3A_333 = arith.constant 0 : i32
      %dma_wait3A_334 = tpu.memref_slice %arg3[%dma_wait3A_332, %dma_wait3A_333] : memref<576x768xf32, #tpu.memory_space<hbm>> -> memref<576x768xf32, #tpu.memory_space<hbm>>
      tpu.wait_indirect_dma semaphore(%arg10 : memref<!tpu.dma_semaphore, #tpu.memory_space<semaphore_mem>>) src(%dma_wait3A_334 : memref<576x768xf32, #tpu.memory_space<hbm>>) dst(%dma_wait3A_330 : memref<32x768xf32, #tpu.memory_space<vmem>>)
      %mul3A_335 = arith.constant 32 : i32
      %mul3A_336 = arith.muli %add3A_289, %mul3A_335 : i32
      %multiple_of3A_337 = tpu.assume_multiple %mul3A_336, 32 : i32
      %add3A_338 = arith.addi %mul3A_2, %multiple_of3A_337 : i32
      %dma_start3A_339 = arith.constant 3 : i32
      %dma_start3A_340 = arith.constant 0 : i32
      %dma_start3A_341 = arith.constant 0 : i32
      %dma_start3A_342 = tpu.memref_slice %arg6[%dma_start3A_339, %dma_start3A_340, %dma_start3A_341] : memref<4x32x768xf32, #tpu.memory_space<vmem>> -> memref<1x32x768xf32, #tpu.memory_space<vmem>>
      %dma_start3A_343 = tpu.memref_squeeze %dma_start3A_342 : memref<1x32x768xf32, #tpu.memory_space<vmem>> -> memref<32x768xf32, #tpu.memory_space<vmem>>
      %dma_start3A_344 = arith.constant 0 : i32
      %dma_start3A_345 = tpu.memref_slice %arg4[%add3A_338, %dma_start3A_344] : memref<147456x768xf32, #tpu.memory_space<hbm>> -> memref<32x768xf32, #tpu.memory_space<hbm>>
      %dma_start3A_346 = arith.constant 0 : i32
      %dma_start3A_347 = tpu.memref_slice %arg4[%add3A_338, %dma_start3A_346] : memref<147456x768xf32, #tpu.memory_space<hbm>> -> memref<32x768xf32, #tpu.memory_space<hbm>>
      %dma_start3A_348 = arith.constant 0 : i32
      %dma_start3A_349 = arith.constant 0 : i32
      %dma_start3A_350 = tpu.memref_slice %arg6[%dma_start3A_339, %dma_start3A_348, %dma_start3A_349] : memref<4x32x768xf32, #tpu.memory_space<vmem>> -> memref<1x32x768xf32, #tpu.memory_space<vmem>>
      %dma_start3A_351 = tpu.memref_squeeze %dma_start3A_350 : memref<1x32x768xf32, #tpu.memory_space<vmem>> -> memref<32x768xf32, #tpu.memory_space<vmem>>
      tpu.enqueue_dma source(%dma_start3A_351 : memref<32x768xf32, #tpu.memory_space<vmem>>) target(%dma_start3A_347 : memref<32x768xf32, #tpu.memory_space<hbm>>) target_semaphore(%arg14 : memref<!tpu.dma_semaphore, #tpu.memory_space<semaphore_mem>>)
      %add3A_352 = arith.constant 2 : i32
      %add3A_353 = arith.addi %add3A_224, %add3A_352 : i32
      %sub3A_354 = arith.constant 2 : i32
      %sub3A_355 = arith.subi %add3A_353, %sub3A_354 : i32
      %mul3A_356 = arith.constant 32 : i32
      %mul3A_357 = arith.muli %sub3A_355, %mul3A_356 : i32
      %multiple_of3A_358 = tpu.assume_multiple %mul3A_357, 32 : i32
      %add3A_359 = arith.addi %mul3A_2, %multiple_of3A_358 : i32
      %dma_wait3A_360 = arith.constant 2 : i32
      %dma_wait3A_361 = arith.constant 0 : i32
      %dma_wait3A_362 = arith.constant 0 : i32
      %dma_wait3A_363 = tpu.memref_slice %arg6[%dma_wait3A_360, %dma_wait3A_361, %dma_wait3A_362] : memref<4x32x768xf32, #tpu.memory_space<vmem>> -> memref<1x32x768xf32, #tpu.memory_space<vmem>>
      %dma_wait3A_364 = tpu.memref_squeeze %dma_wait3A_363 : memref<1x32x768xf32, #tpu.memory_space<vmem>> -> memref<32x768xf32, #tpu.memory_space<vmem>>
      %dma_wait3A_365 = arith.constant 0 : i32
      %dma_wait3A_366 = tpu.memref_slice %arg4[%add3A_359, %dma_wait3A_365] : memref<147456x768xf32, #tpu.memory_space<hbm>> -> memref<32x768xf32, #tpu.memory_space<hbm>>
      %dma_wait3A_367 = arith.constant 0 : i32
      %dma_wait3A_368 = tpu.memref_slice %arg4[%add3A_359, %dma_wait3A_367] : memref<147456x768xf32, #tpu.memory_space<hbm>> -> memref<32x768xf32, #tpu.memory_space<hbm>>
      %dma_wait3A_369 = arith.constant 0 : i32
      %dma_wait3A_370 = arith.constant 0 : i32
      %dma_wait3A_371 = tpu.memref_slice %arg6[%dma_wait3A_360, %dma_wait3A_369, %dma_wait3A_370] : memref<4x32x768xf32, #tpu.memory_space<vmem>> -> memref<1x32x768xf32, #tpu.memory_space<vmem>>
      %dma_wait3A_372 = tpu.memref_squeeze %dma_wait3A_371 : memref<1x32x768xf32, #tpu.memory_space<vmem>> -> memref<32x768xf32, #tpu.memory_space<vmem>>
      tpu.wait_dma2 semaphore(%arg13 : memref<!tpu.dma_semaphore, #tpu.memory_space<semaphore_mem>>) src(%dma_wait3A_372 : memref<32x768xf32, #tpu.memory_space<vmem>>) dst(%dma_wait3A_368 : memref<32x768xf32, #tpu.memory_space<hbm>>)
      %add3A_373 = arith.constant 2 : i32
      %add3A_374 = arith.addi %add3A_353, %add3A_373 : i32
      %mul3A_375 = arith.constant 32 : i32
      %mul3A_376 = arith.muli %add3A_374, %mul3A_375 : i32
      %multiple_of3A_377 = tpu.assume_multiple %mul3A_376, 32 : i32
      %dma_start3A_378 = arith.constant 2 : i32
      %dma_start3A_379 = arith.constant 0 : i32
      %dma_start3A_380 = arith.constant 0 : i32
      %dma_start3A_381 = tpu.memref_slice %arg6[%dma_start3A_378, %dma_start3A_379, %dma_start3A_380] : memref<4x32x768xf32, #tpu.memory_space<vmem>> -> memref<1x32x768xf32, #tpu.memory_space<vmem>>
      %dma_start3A_382 = tpu.memref_squeeze %dma_start3A_381 : memref<1x32x768xf32, #tpu.memory_space<vmem>> -> memref<32x768xf32, #tpu.memory_space<vmem>>
      %dma_start3A_383 = tpu.memref_slice %arg5[%multiple_of3A_377] : memref<4608xi32, #tpu.memory_space<vmem>> -> memref<32xi32, #tpu.memory_space<vmem>>
      %dma_start3A_384 = arith.constant 0 : i32
      %dma_start3A_385 = arith.constant 0 : i32
      %dma_start3A_386 = tpu.memref_slice %arg3[%dma_start3A_384, %dma_start3A_385] : memref<576x768xf32, #tpu.memory_space<hbm>> -> memref<576x768xf32, #tpu.memory_space<hbm>>
      tpu.enqueue_indirect_dma source(%dma_start3A_386 : memref<576x768xf32, #tpu.memory_space<hbm>>) target(%dma_start3A_382 : memref<32x768xf32, #tpu.memory_space<vmem>>) offsets(%dma_start3A_383 : memref<32xi32, #tpu.memory_space<vmem>>) semaphore(%arg9 : memref<!tpu.dma_semaphore, #tpu.memory_space<semaphore_mem>>)
      %mul3A_387 = arith.constant 32 : i32
      %mul3A_388 = arith.muli %add3A_353, %mul3A_387 : i32
      %multiple_of3A_389 = tpu.assume_multiple %mul3A_388, 32 : i32
      %dma_wait3A_390 = arith.constant 0 : i32
      %dma_wait3A_391 = arith.constant 0 : i32
      %dma_wait3A_392 = arith.constant 0 : i32
      %dma_wait3A_393 = tpu.memref_slice %arg6[%dma_wait3A_390, %dma_wait3A_391, %dma_wait3A_392] : memref<4x32x768xf32, #tpu.memory_space<vmem>> -> memref<1x32x768xf32, #tpu.memory_space<vmem>>
      %dma_wait3A_394 = tpu.memref_squeeze %dma_wait3A_393 : memref<1x32x768xf32, #tpu.memory_space<vmem>> -> memref<32x768xf32, #tpu.memory_space<vmem>>
      %dma_wait3A_395 = tpu.memref_slice %arg5[%multiple_of3A_389] : memref<4608xi32, #tpu.memory_space<vmem>> -> memref<32xi32, #tpu.memory_space<vmem>>
      %dma_wait3A_396 = arith.constant 0 : i32
      %dma_wait3A_397 = arith.constant 0 : i32
      %dma_wait3A_398 = tpu.memref_slice %arg3[%dma_wait3A_396, %dma_wait3A_397] : memref<576x768xf32, #tpu.memory_space<hbm>> -> memref<576x768xf32, #tpu.memory_space<hbm>>
      tpu.wait_indirect_dma semaphore(%arg7 : memref<!tpu.dma_semaphore, #tpu.memory_space<semaphore_mem>>) src(%dma_wait3A_398 : memref<576x768xf32, #tpu.memory_space<hbm>>) dst(%dma_wait3A_394 : memref<32x768xf32, #tpu.memory_space<vmem>>)
      %mul3A_399 = arith.constant 32 : i32
      %mul3A_400 = arith.muli %add3A_353, %mul3A_399 : i32
      %multiple_of3A_401 = tpu.assume_multiple %mul3A_400, 32 : i32
      %add3A_402 = arith.addi %mul3A_2, %multiple_of3A_401 : i32
      %dma_start3A_403 = arith.constant 0 : i32
      %dma_start3A_404 = arith.constant 0 : i32
      %dma_start3A_405 = arith.constant 0 : i32
      %dma_start3A_406 = tpu.memref_slice %arg6[%dma_start3A_403, %dma_start3A_404, %dma_start3A_405] : memref<4x32x768xf32, #tpu.memory_space<vmem>> -> memref<1x32x768xf32, #tpu.memory_space<vmem>>
      %dma_start3A_407 = tpu.memref_squeeze %dma_start3A_406 : memref<1x32x768xf32, #tpu.memory_space<vmem>> -> memref<32x768xf32, #tpu.memory_space<vmem>>
      %dma_start3A_408 = arith.constant 0 : i32
      %dma_start3A_409 = tpu.memref_slice %arg4[%add3A_402, %dma_start3A_408] : memref<147456x768xf32, #tpu.memory_space<hbm>> -> memref<32x768xf32, #tpu.memory_space<hbm>>
      %dma_start3A_410 = arith.constant 0 : i32
      %dma_start3A_411 = tpu.memref_slice %arg4[%add3A_402, %dma_start3A_410] : memref<147456x768xf32, #tpu.memory_space<hbm>> -> memref<32x768xf32, #tpu.memory_space<hbm>>
      %dma_start3A_412 = arith.constant 0 : i32
      %dma_start3A_413 = arith.constant 0 : i32
      %dma_start3A_414 = tpu.memref_slice %arg6[%dma_start3A_403, %dma_start3A_412, %dma_start3A_413] : memref<4x32x768xf32, #tpu.memory_space<vmem>> -> memref<1x32x768xf32, #tpu.memory_space<vmem>>
      %dma_start3A_415 = tpu.memref_squeeze %dma_start3A_414 : memref<1x32x768xf32, #tpu.memory_space<vmem>> -> memref<32x768xf32, #tpu.memory_space<vmem>>
      tpu.enqueue_dma source(%dma_start3A_415 : memref<32x768xf32, #tpu.memory_space<vmem>>) target(%dma_start3A_411 : memref<32x768xf32, #tpu.memory_space<hbm>>) target_semaphore(%arg11 : memref<!tpu.dma_semaphore, #tpu.memory_space<semaphore_mem>>)
      %add3A_416 = arith.constant 3 : i32
      %add3A_417 = arith.addi %add3A_224, %add3A_416 : i32
      %sub3A_418 = arith.constant 2 : i32
      %sub3A_419 = arith.subi %add3A_417, %sub3A_418 : i32
      %mul3A_420 = arith.constant 32 : i32
      %mul3A_421 = arith.muli %sub3A_419, %mul3A_420 : i32
      %multiple_of3A_422 = tpu.assume_multiple %mul3A_421, 32 : i32
      %add3A_423 = arith.addi %mul3A_2, %multiple_of3A_422 : i32
      %dma_wait3A_424 = arith.constant 3 : i32
      %dma_wait3A_425 = arith.constant 0 : i32
      %dma_wait3A_426 = arith.constant 0 : i32
      %dma_wait3A_427 = tpu.memref_slice %arg6[%dma_wait3A_424, %dma_wait3A_425, %dma_wait3A_426] : memref<4x32x768xf32, #tpu.memory_space<vmem>> -> memref<1x32x768xf32, #tpu.memory_space<vmem>>
      %dma_wait3A_428 = tpu.memref_squeeze %dma_wait3A_427 : memref<1x32x768xf32, #tpu.memory_space<vmem>> -> memref<32x768xf32, #tpu.memory_space<vmem>>
      %dma_wait3A_429 = arith.constant 0 : i32
      %dma_wait3A_430 = tpu.memref_slice %arg4[%add3A_423, %dma_wait3A_429] : memref<147456x768xf32, #tpu.memory_space<hbm>> -> memref<32x768xf32, #tpu.memory_space<hbm>>
      %dma_wait3A_431 = arith.constant 0 : i32
      %dma_wait3A_432 = tpu.memref_slice %arg4[%add3A_423, %dma_wait3A_431] : memref<147456x768xf32, #tpu.memory_space<hbm>> -> memref<32x768xf32, #tpu.memory_space<hbm>>
      %dma_wait3A_433 = arith.constant 0 : i32
      %dma_wait3A_434 = arith.constant 0 : i32
      %dma_wait3A_435 = tpu.memref_slice %arg6[%dma_wait3A_424, %dma_wait3A_433, %dma_wait3A_434] : memref<4x32x768xf32, #tpu.memory_space<vmem>> -> memref<1x32x768xf32, #tpu.memory_space<vmem>>
      %dma_wait3A_436 = tpu.memref_squeeze %dma_wait3A_435 : memref<1x32x768xf32, #tpu.memory_space<vmem>> -> memref<32x768xf32, #tpu.memory_space<vmem>>
      tpu.wait_dma2 semaphore(%arg14 : memref<!tpu.dma_semaphore, #tpu.memory_space<semaphore_mem>>) src(%dma_wait3A_436 : memref<32x768xf32, #tpu.memory_space<vmem>>) dst(%dma_wait3A_432 : memref<32x768xf32, #tpu.memory_space<hbm>>)
      %add3A_437 = arith.constant 2 : i32
      %add3A_438 = arith.addi %add3A_417, %add3A_437 : i32
      %mul3A_439 = arith.constant 32 : i32
      %mul3A_440 = arith.muli %add3A_438, %mul3A_439 : i32
      %multiple_of3A_441 = tpu.assume_multiple %mul3A_440, 32 : i32
      %dma_start3A_442 = arith.constant 3 : i32
      %dma_start3A_443 = arith.constant 0 : i32
      %dma_start3A_444 = arith.constant 0 : i32
      %dma_start3A_445 = tpu.memref_slice %arg6[%dma_start3A_442, %dma_start3A_443, %dma_start3A_444] : memref<4x32x768xf32, #tpu.memory_space<vmem>> -> memref<1x32x768xf32, #tpu.memory_space<vmem>>
      %dma_start3A_446 = tpu.memref_squeeze %dma_start3A_445 : memref<1x32x768xf32, #tpu.memory_space<vmem>> -> memref<32x768xf32, #tpu.memory_space<vmem>>
      %dma_start3A_447 = tpu.memref_slice %arg5[%multiple_of3A_441] : memref<4608xi32, #tpu.memory_space<vmem>> -> memref<32xi32, #tpu.memory_space<vmem>>
      %dma_start3A_448 = arith.constant 0 : i32
      %dma_start3A_449 = arith.constant 0 : i32
      %dma_start3A_450 = tpu.memref_slice %arg3[%dma_start3A_448, %dma_start3A_449] : memref<576x768xf32, #tpu.memory_space<hbm>> -> memref<576x768xf32, #tpu.memory_space<hbm>>
      tpu.enqueue_indirect_dma source(%dma_start3A_450 : memref<576x768xf32, #tpu.memory_space<hbm>>) target(%dma_start3A_446 : memref<32x768xf32, #tpu.memory_space<vmem>>) offsets(%dma_start3A_447 : memref<32xi32, #tpu.memory_space<vmem>>) semaphore(%arg10 : memref<!tpu.dma_semaphore, #tpu.memory_space<semaphore_mem>>)
      %mul3A_451 = arith.constant 32 : i32
      %mul3A_452 = arith.muli %add3A_417, %mul3A_451 : i32
      %multiple_of3A_453 = tpu.assume_multiple %mul3A_452, 32 : i32
      %dma_wait3A_454 = arith.constant 1 : i32
      %dma_wait3A_455 = arith.constant 0 : i32
      %dma_wait3A_456 = arith.constant 0 : i32
      %dma_wait3A_457 = tpu.memref_slice %arg6[%dma_wait3A_454, %dma_wait3A_455, %dma_wait3A_456] : memref<4x32x768xf32, #tpu.memory_space<vmem>> -> memref<1x32x768xf32, #tpu.memory_space<vmem>>
      %dma_wait3A_458 = tpu.memref_squeeze %dma_wait3A_457 : memref<1x32x768xf32, #tpu.memory_space<vmem>> -> memref<32x768xf32, #tpu.memory_space<vmem>>
      %dma_wait3A_459 = tpu.memref_slice %arg5[%multiple_of3A_453] : memref<4608xi32, #tpu.memory_space<vmem>> -> memref<32xi32, #tpu.memory_space<vmem>>
      %dma_wait3A_460 = arith.constant 0 : i32
      %dma_wait3A_461 = arith.constant 0 : i32
      %dma_wait3A_462 = tpu.memref_slice %arg3[%dma_wait3A_460, %dma_wait3A_461] : memref<576x768xf32, #tpu.memory_space<hbm>> -> memref<576x768xf32, #tpu.memory_space<hbm>>
      tpu.wait_indirect_dma semaphore(%arg8 : memref<!tpu.dma_semaphore, #tpu.memory_space<semaphore_mem>>) src(%dma_wait3A_462 : memref<576x768xf32, #tpu.memory_space<hbm>>) dst(%dma_wait3A_458 : memref<32x768xf32, #tpu.memory_space<vmem>>)
      %mul3A_463 = arith.constant 32 : i32
      %mul3A_464 = arith.muli %add3A_417, %mul3A_463 : i32
      %multiple_of3A_465 = tpu.assume_multiple %mul3A_464, 32 : i32
      %add3A_466 = arith.addi %mul3A_2, %multiple_of3A_465 : i32
      %dma_start3A_467 = arith.constant 1 : i32
      %dma_start3A_468 = arith.constant 0 : i32
      %dma_start3A_469 = arith.constant 0 : i32
      %dma_start3A_470 = tpu.memref_slice %arg6[%dma_start3A_467, %dma_start3A_468, %dma_start3A_469] : memref<4x32x768xf32, #tpu.memory_space<vmem>> -> memref<1x32x768xf32, #tpu.memory_space<vmem>>
      %dma_start3A_471 = tpu.memref_squeeze %dma_start3A_470 : memref<1x32x768xf32, #tpu.memory_space<vmem>> -> memref<32x768xf32, #tpu.memory_space<vmem>>
      %dma_start3A_472 = arith.constant 0 : i32
      %dma_start3A_473 = tpu.memref_slice %arg4[%add3A_466, %dma_start3A_472] : memref<147456x768xf32, #tpu.memory_space<hbm>> -> memref<32x768xf32, #tpu.memory_space<hbm>>
      %dma_start3A_474 = arith.constant 0 : i32
      %dma_start3A_475 = tpu.memref_slice %arg4[%add3A_466, %dma_start3A_474] : memref<147456x768xf32, #tpu.memory_space<hbm>> -> memref<32x768xf32, #tpu.memory_space<hbm>>
      %dma_start3A_476 = arith.constant 0 : i32
      %dma_start3A_477 = arith.constant 0 : i32
      %dma_start3A_478 = tpu.memref_slice %arg6[%dma_start3A_467, %dma_start3A_476, %dma_start3A_477] : memref<4x32x768xf32, #tpu.memory_space<vmem>> -> memref<1x32x768xf32, #tpu.memory_space<vmem>>
      %dma_start3A_479 = tpu.memref_squeeze %dma_start3A_478 : memref<1x32x768xf32, #tpu.memory_space<vmem>> -> memref<32x768xf32, #tpu.memory_space<vmem>>
      tpu.enqueue_dma source(%dma_start3A_479 : memref<32x768xf32, #tpu.memory_space<vmem>>) target(%dma_start3A_475 : memref<32x768xf32, #tpu.memory_space<hbm>>) target_semaphore(%arg12 : memref<!tpu.dma_semaphore, #tpu.memory_space<semaphore_mem>>)
    }
    %scan3A_101 = arith.constant 35 : i32
    %multiple_of3A_102 = arith.constant 4544 : i32
    %multiple_of3A_103 = tpu.assume_multiple %multiple_of3A_102, 32 : i32
    %dma_wait3A_104 = arith.constant 2 : i32
    %dma_wait3A_105 = arith.constant 0 : i32
    %dma_wait3A_106 = arith.constant 0 : i32
    %dma_wait3A_107 = tpu.memref_slice %arg6[%dma_wait3A_104, %dma_wait3A_105, %dma_wait3A_106] : memref<4x32x768xf32, #tpu.memory_space<vmem>> -> memref<1x32x768xf32, #tpu.memory_space<vmem>>
    %dma_wait3A_108 = tpu.memref_squeeze %dma_wait3A_107 : memref<1x32x768xf32, #tpu.memory_space<vmem>> -> memref<32x768xf32, #tpu.memory_space<vmem>>
    %dma_wait3A_109 = tpu.memref_slice %arg5[%multiple_of3A_103] : memref<4608xi32, #tpu.memory_space<vmem>> -> memref<32xi32, #tpu.memory_space<vmem>>
    %dma_wait3A_110 = arith.constant 0 : i32
    %dma_wait3A_111 = arith.constant 0 : i32
    %dma_wait3A_112 = tpu.memref_slice %arg3[%dma_wait3A_110, %dma_wait3A_111] : memref<576x768xf32, #tpu.memory_space<hbm>> -> memref<576x768xf32, #tpu.memory_space<hbm>>
    tpu.wait_indirect_dma semaphore(%arg9 : memref<!tpu.dma_semaphore, #tpu.memory_space<semaphore_mem>>) src(%dma_wait3A_112 : memref<576x768xf32, #tpu.memory_space<hbm>>) dst(%dma_wait3A_108 : memref<32x768xf32, #tpu.memory_space<vmem>>)
    %multiple_of3A_113 = arith.constant 4544 : i32
    %multiple_of3A_114 = tpu.assume_multiple %multiple_of3A_113, 32 : i32
    %add3A_115 = arith.addi %mul3A_2, %multiple_of3A_114 : i32
    %dma_start3A_116 = arith.constant 2 : i32
    %dma_start3A_117 = arith.constant 0 : i32
    %dma_start3A_118 = arith.constant 0 : i32
    %dma_start3A_119 = tpu.memref_slice %arg6[%dma_start3A_116, %dma_start3A_117, %dma_start3A_118] : memref<4x32x768xf32, #tpu.memory_space<vmem>> -> memref<1x32x768xf32, #tpu.memory_space<vmem>>
    %dma_start3A_120 = tpu.memref_squeeze %dma_start3A_119 : memref<1x32x768xf32, #tpu.memory_space<vmem>> -> memref<32x768xf32, #tpu.memory_space<vmem>>
    %dma_start3A_121 = arith.constant 0 : i32
    %dma_start3A_122 = tpu.memref_slice %arg4[%add3A_115, %dma_start3A_121] : memref<147456x768xf32, #tpu.memory_space<hbm>> -> memref<32x768xf32, #tpu.memory_space<hbm>>
    %dma_start3A_123 = arith.constant 0 : i32
    %dma_start3A_124 = tpu.memref_slice %arg4[%add3A_115, %dma_start3A_123] : memref<147456x768xf32, #tpu.memory_space<hbm>> -> memref<32x768xf32, #tpu.memory_space<hbm>>
    %dma_start3A_125 = arith.constant 0 : i32
    %dma_start3A_126 = arith.constant 0 : i32
    %dma_start3A_127 = tpu.memref_slice %arg6[%dma_start3A_116, %dma_start3A_125, %dma_start3A_126] : memref<4x32x768xf32, #tpu.memory_space<vmem>> -> memref<1x32x768xf32, #tpu.memory_space<vmem>>
    %dma_start3A_128 = tpu.memref_squeeze %dma_start3A_127 : memref<1x32x768xf32, #tpu.memory_space<vmem>> -> memref<32x768xf32, #tpu.memory_space<vmem>>
    tpu.enqueue_dma source(%dma_start3A_128 : memref<32x768xf32, #tpu.memory_space<vmem>>) target(%dma_start3A_124 : memref<32x768xf32, #tpu.memory_space<hbm>>) target_semaphore(%arg13 : memref<!tpu.dma_semaphore, #tpu.memory_space<semaphore_mem>>)
    %multiple_of3A_129 = arith.constant 4576 : i32
    %multiple_of3A_130 = tpu.assume_multiple %multiple_of3A_129, 32 : i32
    %dma_wait3A_131 = arith.constant 3 : i32
    %dma_wait3A_132 = arith.constant 0 : i32
    %dma_wait3A_133 = arith.constant 0 : i32
    %dma_wait3A_134 = tpu.memref_slice %arg6[%dma_wait3A_131, %dma_wait3A_132, %dma_wait3A_133] : memref<4x32x768xf32, #tpu.memory_space<vmem>> -> memref<1x32x768xf32, #tpu.memory_space<vmem>>
    %dma_wait3A_135 = tpu.memref_squeeze %dma_wait3A_134 : memref<1x32x768xf32, #tpu.memory_space<vmem>> -> memref<32x768xf32, #tpu.memory_space<vmem>>
    %dma_wait3A_136 = tpu.memref_slice %arg5[%multiple_of3A_130] : memref<4608xi32, #tpu.memory_space<vmem>> -> memref<32xi32, #tpu.memory_space<vmem>>
    %dma_wait3A_137 = arith.constant 0 : i32
    %dma_wait3A_138 = arith.constant 0 : i32
    %dma_wait3A_139 = tpu.memref_slice %arg3[%dma_wait3A_137, %dma_wait3A_138] : memref<576x768xf32, #tpu.memory_space<hbm>> -> memref<576x768xf32, #tpu.memory_space<hbm>>
    tpu.wait_indirect_dma semaphore(%arg10 : memref<!tpu.dma_semaphore, #tpu.memory_space<semaphore_mem>>) src(%dma_wait3A_139 : memref<576x768xf32, #tpu.memory_space<hbm>>) dst(%dma_wait3A_135 : memref<32x768xf32, #tpu.memory_space<vmem>>)
    %multiple_of3A_140 = arith.constant 4576 : i32
    %multiple_of3A_141 = tpu.assume_multiple %multiple_of3A_140, 32 : i32
    %add3A_142 = arith.addi %mul3A_2, %multiple_of3A_141 : i32
    %dma_start3A_143 = arith.constant 3 : i32
    %dma_start3A_144 = arith.constant 0 : i32
    %dma_start3A_145 = arith.constant 0 : i32
    %dma_start3A_146 = tpu.memref_slice %arg6[%dma_start3A_143, %dma_start3A_144, %dma_start3A_145] : memref<4x32x768xf32, #tpu.memory_space<vmem>> -> memref<1x32x768xf32, #tpu.memory_space<vmem>>
    %dma_start3A_147 = tpu.memref_squeeze %dma_start3A_146 : memref<1x32x768xf32, #tpu.memory_space<vmem>> -> memref<32x768xf32, #tpu.memory_space<vmem>>
    %dma_start3A_148 = arith.constant 0 : i32
    %dma_start3A_149 = tpu.memref_slice %arg4[%add3A_142, %dma_start3A_148] : memref<147456x768xf32, #tpu.memory_space<hbm>> -> memref<32x768xf32, #tpu.memory_space<hbm>>
    %dma_start3A_150 = arith.constant 0 : i32
    %dma_start3A_151 = tpu.memref_slice %arg4[%add3A_142, %dma_start3A_150] : memref<147456x768xf32, #tpu.memory_space<hbm>> -> memref<32x768xf32, #tpu.memory_space<hbm>>
    %dma_start3A_152 = arith.constant 0 : i32
    %dma_start3A_153 = arith.constant 0 : i32
    %dma_start3A_154 = tpu.memref_slice %arg6[%dma_start3A_143, %dma_start3A_152, %dma_start3A_153] : memref<4x32x768xf32, #tpu.memory_space<vmem>> -> memref<1x32x768xf32, #tpu.memory_space<vmem>>
    %dma_start3A_155 = tpu.memref_squeeze %dma_start3A_154 : memref<1x32x768xf32, #tpu.memory_space<vmem>> -> memref<32x768xf32, #tpu.memory_space<vmem>>
    tpu.enqueue_dma source(%dma_start3A_155 : memref<32x768xf32, #tpu.memory_space<vmem>>) target(%dma_start3A_151 : memref<32x768xf32, #tpu.memory_space<hbm>>) target_semaphore(%arg14 : memref<!tpu.dma_semaphore, #tpu.memory_space<semaphore_mem>>)
    %multiple_of3A_156 = arith.constant 4480 : i32
    %multiple_of3A_157 = tpu.assume_multiple %multiple_of3A_156, 32 : i32
    %add3A_158 = arith.addi %mul3A_2, %multiple_of3A_157 : i32
    %dma_wait3A_159 = arith.constant 0 : i32
    %dma_wait3A_160 = arith.constant 0 : i32
    %dma_wait3A_161 = arith.constant 0 : i32
    %dma_wait3A_162 = tpu.memref_slice %arg6[%dma_wait3A_159, %dma_wait3A_160, %dma_wait3A_161] : memref<4x32x768xf32, #tpu.memory_space<vmem>> -> memref<1x32x768xf32, #tpu.memory_space<vmem>>
    %dma_wait3A_163 = tpu.memref_squeeze %dma_wait3A_162 : memref<1x32x768xf32, #tpu.memory_space<vmem>> -> memref<32x768xf32, #tpu.memory_space<vmem>>
    %dma_wait3A_164 = arith.constant 0 : i32
    %dma_wait3A_165 = tpu.memref_slice %arg4[%add3A_158, %dma_wait3A_164] : memref<147456x768xf32, #tpu.memory_space<hbm>> -> memref<32x768xf32, #tpu.memory_space<hbm>>
    %dma_wait3A_166 = arith.constant 0 : i32
    %dma_wait3A_167 = tpu.memref_slice %arg4[%add3A_158, %dma_wait3A_166] : memref<147456x768xf32, #tpu.memory_space<hbm>> -> memref<32x768xf32, #tpu.memory_space<hbm>>
    %dma_wait3A_168 = arith.constant 0 : i32
    %dma_wait3A_169 = arith.constant 0 : i32
    %dma_wait3A_170 = tpu.memref_slice %arg6[%dma_wait3A_159, %dma_wait3A_168, %dma_wait3A_169] : memref<4x32x768xf32, #tpu.memory_space<vmem>> -> memref<1x32x768xf32, #tpu.memory_space<vmem>>
    %dma_wait3A_171 = tpu.memref_squeeze %dma_wait3A_170 : memref<1x32x768xf32, #tpu.memory_space<vmem>> -> memref<32x768xf32, #tpu.memory_space<vmem>>
    tpu.wait_dma2 semaphore(%arg11 : memref<!tpu.dma_semaphore, #tpu.memory_space<semaphore_mem>>) src(%dma_wait3A_171 : memref<32x768xf32, #tpu.memory_space<vmem>>) dst(%dma_wait3A_167 : memref<32x768xf32, #tpu.memory_space<hbm>>)
    %multiple_of3A_172 = arith.constant 4512 : i32
    %multiple_of3A_173 = tpu.assume_multiple %multiple_of3A_172, 32 : i32
    %add3A_174 = arith.addi %mul3A_2, %multiple_of3A_173 : i32
    %dma_wait3A_175 = arith.constant 1 : i32
    %dma_wait3A_176 = arith.constant 0 : i32
    %dma_wait3A_177 = arith.constant 0 : i32
    %dma_wait3A_178 = tpu.memref_slice %arg6[%dma_wait3A_175, %dma_wait3A_176, %dma_wait3A_177] : memref<4x32x768xf32, #tpu.memory_space<vmem>> -> memref<1x32x768xf32, #tpu.memory_space<vmem>>
    %dma_wait3A_179 = tpu.memref_squeeze %dma_wait3A_178 : memref<1x32x768xf32, #tpu.memory_space<vmem>> -> memref<32x768xf32, #tpu.memory_space<vmem>>
    %dma_wait3A_180 = arith.constant 0 : i32
    %dma_wait3A_181 = tpu.memref_slice %arg4[%add3A_174, %dma_wait3A_180] : memref<147456x768xf32, #tpu.memory_space<hbm>> -> memref<32x768xf32, #tpu.memory_space<hbm>>
    %dma_wait3A_182 = arith.constant 0 : i32
    %dma_wait3A_183 = tpu.memref_slice %arg4[%add3A_174, %dma_wait3A_182] : memref<147456x768xf32, #tpu.memory_space<hbm>> -> memref<32x768xf32, #tpu.memory_space<hbm>>
    %dma_wait3A_184 = arith.constant 0 : i32
    %dma_wait3A_185 = arith.constant 0 : i32
    %dma_wait3A_186 = tpu.memref_slice %arg6[%dma_wait3A_175, %dma_wait3A_184, %dma_wait3A_185] : memref<4x32x768xf32, #tpu.memory_space<vmem>> -> memref<1x32x768xf32, #tpu.memory_space<vmem>>
    %dma_wait3A_187 = tpu.memref_squeeze %dma_wait3A_186 : memref<1x32x768xf32, #tpu.memory_space<vmem>> -> memref<32x768xf32, #tpu.memory_space<vmem>>
    tpu.wait_dma2 semaphore(%arg12 : memref<!tpu.dma_semaphore, #tpu.memory_space<semaphore_mem>>) src(%dma_wait3A_187 : memref<32x768xf32, #tpu.memory_space<vmem>>) dst(%dma_wait3A_183 : memref<32x768xf32, #tpu.memory_space<hbm>>)
    %multiple_of3A_188 = arith.constant 4544 : i32
    %multiple_of3A_189 = tpu.assume_multiple %multiple_of3A_188, 32 : i32
    %add3A_190 = arith.addi %mul3A_2, %multiple_of3A_189 : i32
    %dma_wait3A_191 = arith.constant 2 : i32
    %dma_wait3A_192 = arith.constant 0 : i32
    %dma_wait3A_193 = arith.constant 0 : i32
    %dma_wait3A_194 = tpu.memref_slice %arg6[%dma_wait3A_191, %dma_wait3A_192, %dma_wait3A_193] : memref<4x32x768xf32, #tpu.memory_space<vmem>> -> memref<1x32x768xf32, #tpu.memory_space<vmem>>
    %dma_wait3A_195 = tpu.memref_squeeze %dma_wait3A_194 : memref<1x32x768xf32, #tpu.memory_space<vmem>> -> memref<32x768xf32, #tpu.memory_space<vmem>>
    %dma_wait3A_196 = arith.constant 0 : i32
    %dma_wait3A_197 = tpu.memref_slice %arg4[%add3A_190, %dma_wait3A_196] : memref<147456x768xf32, #tpu.memory_space<hbm>> -> memref<32x768xf32, #tpu.memory_space<hbm>>
    %dma_wait3A_198 = arith.constant 0 : i32
    %dma_wait3A_199 = tpu.memref_slice %arg4[%add3A_190, %dma_wait3A_198] : memref<147456x768xf32, #tpu.memory_space<hbm>> -> memref<32x768xf32, #tpu.memory_space<hbm>>
    %dma_wait3A_200 = arith.constant 0 : i32
    %dma_wait3A_201 = arith.constant 0 : i32
    %dma_wait3A_202 = tpu.memref_slice %arg6[%dma_wait3A_191, %dma_wait3A_200, %dma_wait3A_201] : memref<4x32x768xf32, #tpu.memory_space<vmem>> -> memref<1x32x768xf32, #tpu.memory_space<vmem>>
    %dma_wait3A_203 = tpu.memref_squeeze %dma_wait3A_202 : memref<1x32x768xf32, #tpu.memory_space<vmem>> -> memref<32x768xf32, #tpu.memory_space<vmem>>
    tpu.wait_dma2 semaphore(%arg13 : memref<!tpu.dma_semaphore, #tpu.memory_space<semaphore_mem>>) src(%dma_wait3A_203 : memref<32x768xf32, #tpu.memory_space<vmem>>) dst(%dma_wait3A_199 : memref<32x768xf32, #tpu.memory_space<hbm>>)
    %multiple_of3A_204 = arith.constant 4576 : i32
    %multiple_of3A_205 = tpu.assume_multiple %multiple_of3A_204, 32 : i32
    %add3A_206 = arith.addi %mul3A_2, %multiple_of3A_205 : i32
    %dma_wait3A_207 = arith.constant 3 : i32
    %dma_wait3A_208 = arith.constant 0 : i32
    %dma_wait3A_209 = arith.constant 0 : i32
    %dma_wait3A_210 = tpu.memref_slice %arg6[%dma_wait3A_207, %dma_wait3A_208, %dma_wait3A_209] : memref<4x32x768xf32, #tpu.memory_space<vmem>> -> memref<1x32x768xf32, #tpu.memory_space<vmem>>
    %dma_wait3A_211 = tpu.memref_squeeze %dma_wait3A_210 : memref<1x32x768xf32, #tpu.memory_space<vmem>> -> memref<32x768xf32, #tpu.memory_space<vmem>>
    %dma_wait3A_212 = arith.constant 0 : i32
    %dma_wait3A_213 = tpu.memref_slice %arg4[%add3A_206, %dma_wait3A_212] : memref<147456x768xf32, #tpu.memory_space<hbm>> -> memref<32x768xf32, #tpu.memory_space<hbm>>
    %dma_wait3A_214 = arith.constant 0 : i32
    %dma_wait3A_215 = tpu.memref_slice %arg4[%add3A_206, %dma_wait3A_214] : memref<147456x768xf32, #tpu.memory_space<hbm>> -> memref<32x768xf32, #tpu.memory_space<hbm>>
    %dma_wait3A_216 = arith.constant 0 : i32
    %dma_wait3A_217 = arith.constant 0 : i32
    %dma_wait3A_218 = tpu.memref_slice %arg6[%dma_wait3A_207, %dma_wait3A_216, %dma_wait3A_217] : memref<4x32x768xf32, #tpu.memory_space<vmem>> -> memref<1x32x768xf32, #tpu.memory_space<vmem>>
    %dma_wait3A_219 = tpu.memref_squeeze %dma_wait3A_218 : memref<1x32x768xf32, #tpu.memory_space<vmem>> -> memref<32x768xf32, #tpu.memory_space<vmem>>
    tpu.wait_dma2 semaphore(%arg14 : memref<!tpu.dma_semaphore, #tpu.memory_space<semaphore_mem>>) src(%dma_wait3A_219 : memref<32x768xf32, #tpu.memory_space<vmem>>) dst(%dma_wait3A_215 : memref<32x768xf32, #tpu.memory_space<hbm>>)
    return
  }
}

</mosaic_0001>

<sc_bundles>
// kernel: kernel.3.cloned.1.call-start
scs
__scs_entry_jumppad:
0x0: {  	(pc) =	sbr.rel $0x88, $3  }
0x1: {  	(tag) =	ssettag $0x0;
	lr =	simm.s32 $0x1  }
0x2: {  	[smem:$0x3F9F] =	sst lr;
	_ =	strace $0xD0000000  }
0x3: {  	_ = 	snop  }
0x4: {  	_ = 	snop  }
0x5: {  	_ = 	snop  }
0x6: {  	_ = 	snop  }
0x7: {  	_ = 	snop  }
__scs_overlays_trampoline_lowered:
0x8: {  	[smem:$0x3FAE] =	sst s0  }
0x9: {  	[smem:$0x3FAF] =	sst s1  }
0xa: {  	[smem:$0x3FB0] =	sst s2  }
0xb: {  	[smem:$0x3FB1] =	sst s3  }
0xc: {  	[smem:$0x3FB2] =	sst s4  }
0xd: {  	[smem:$0x3FB3] =	sst s5  }
0xe: {  	[smem:$0x3FB4] =	sst s6  }
0xf: {  	[smem:$0x3FB5] =	sst s7  }
0x10: {  	[smem:$0x3FB6] =	sst s8  }
0x11: {  	[smem:$0x3FB7] =	sst s9;
	s0 =	simm.s32 @!p0 $0x0  }
0x12: {  	s1 =	sld [smem:$0x3F9D];
	s0 =	simm.s32 @p0 $0x1  }
0x13: {  	[smem:$0x3FB8] =	sst s0;
	s0 =	simm.s32 @!p1 $0x0  }
0x14: {  	s2 =	sld [smem:$0x3F9C];
	s0 =	simm.s32 @p1 $0x1  }
0x15: {  	[smem:$0x3FB9] =	sst s0;
	s0 =	simm.s32 @!p2 $0x0  }
0x16: {  	s3 =	sld [smem:$0x3FDB];
	s0 =	simm.s32 @p2 $0x1  }
0x17: {  	s4 =	simm.s32 $0x1BF5;
	[smem:$0x3FBB] =	sst s0  }
0x18: {  	s0 =	sld [smem:$0x3F9E];
	_ =	swait.ge [sflag:s4], $0x0  }
0x19: {  	s7 =	sld [smem:$0x3F9F]  }
0x1a: {  	s8 =	sadd.s32 $0xFFFFE003, lr  }
0x1b: {  	s9 =	sadd.s32 $0xFFFFFEF7, lr;
	s5 =	simm.s32 $0xFFFFFFFF;
	p2 =	slt.u32 s8, $0xFFFFF086  }
0x1c: {  	p1 =	slt.u32 s9, $0xF7A;
	s5 =	simm.s32 @!p2 $0x0  }
0x1d: {  	s5 =	simm.s32 @p1 $0x1;
	p0 =	seq.s32 s7, s2  }
0x1e: {  	s7 =	smul.u32 @!p0 $0xF7A, s2;
	p2 =	seq.s32 @!p0 s5, $0x0  }
0x1f: {  	s9 =	smul.u32 $0xF7A, s1;
	s8 =	simm.s32 @!p0 $0x1BF5;
	p2 =	por !p2, p0  }
0x20: {  	[sflag:s8] =	ssyncset.s32 @!p0 $0xFFFFF086;
	s6 =	sadd.s32 @!p0 s3, s7;
	s7 =	simm.s32 @!p0 $0x108  }
0x21: {  	s3 =	sadd.s32 s3, s9;
	s6 =	sadd.s32 @!p0 $0x88, s6;
	s7 =	simm.s32 @p2 $0x1082  }
0x22: {  	[simem:s7], [sflag:s8] =	dma.local @!p0 [hbm:s6], $0xF7A  }
0x23: {  	s9 =	sor.u32 $0xD0000000, s2;
	s6 =	simm.s32 $0x108;
	_ =	swait.ge @!p0 [sflag:s8], $0x0  }
0x24: {  	s3 =	sadd.s32 $0x88, s3;
	s6 =	simm.s32 @!p1 $0x1082;
	[sflag:s4] =	ssyncset.s32 $0xFFFFF086  }
0x25: {  	[simem:s6], [sflag:s4] =	dma.local [hbm:s3], $0xF7A  }
0x26: {  	[smem:$0x3F9F] =	sst s1;
	(tag) =	ssettag s2;
	_ =	strace s9  }
0x27: {  	s1 =	sld [smem:$0x3FAF]  }
0x28: {  	s2 =	sld [smem:$0x3FB0]  }
0x29: {  	s4 =	sld [smem:$0x3FB2]  }
0x2a: {  	p0 =	seq.s32 s5, $0x0;
	s5 =	sld [smem:$0x3FB3]  }
0x2b: {  	s6 =	sld [smem:$0x3FB4]  }
0x2c: {  	s7 =	sld [smem:$0x3FB5]  }
0x2d: {  	s3 =	simm.s32 $0x108;
	s8 =	sld [smem:$0x3FB6]  }
0x2e: {  	s3 =	simm.s32 @!p0 $0x1082;
	s9 =	sld [smem:$0x3FB7]  }
0x2f: {  	lr =	sadd.s32 s0, s3;
	s0 =	sld [smem:$0x3FAE]  }
0x30: {  	s3 =	sld [smem:$0x3FB1]  }
0x31: {  	[smem:$0x3FBA] =	sst s10  }
0x32: {  	s10 =	sld [smem:$0x3FB8];
	_ =	sdelay $0x3  }
0x33: {  	p0 =	seq.s32 s10, $0x1;
	s10 =	sld [smem:$0x3FBA];
	_ =	sdelay $0x3  }
0x34: {  	[smem:$0x3FBA] =	sst s10  }
0x35: {  	s10 =	sld [smem:$0x3FB9];
	_ =	sdelay $0x3  }
0x36: {  	p1 =	seq.s32 s10, $0x1;
	s10 =	sld [smem:$0x3FBA];
	_ =	sdelay $0x3  }
0x37: {  	[smem:$0x3FBA] =	sst s10  }
0x38: {  	s10 =	sld [smem:$0x3FBB]  }
0x39: {  	_ = 	snop;
	(pc) =	sbr.ind lr, $3  }
0x3a: {  	_ = 	snop  }
0x3b: {  	_ = 	snop  }
0x3c: {  	p2 =	seq.s32 s10, $0x1;
	s10 =	sld [smem:$0x3FBA]  }
0x3d: {  	_ =	shalt  }
0x3e: {  	_ =	shalt  }
0x3f: {  	_ =	shalt  }
0x40: {  	_ =	shalt  }
0x41: {  	_ =	shalt  }
0x42: {  	_ =	shalt  }
0x43: {  	_ =	shalt  }
0x44: {  	_ =	shalt  }
0x45: {  	_ =	shalt  }
0x46: {  	_ =	shalt  }
0x47: {  	_ =	shalt  }
0x48: {  	_ =	shalt  }
0x49: {  	_ =	shalt  }
0x4a: {  	_ =	shalt  }
0x4b: {  	_ =	shalt  }
0x4c: {  	_ =	shalt  }
0x4d: {  	_ =	shalt  }
0x4e: {  	_ =	shalt  }
0x4f: {  	_ =	shalt  }
0x50: {  	_ =	shalt  }
0x51: {  	_ =	shalt  }
0x52: {  	_ =	shalt  }
0x53: {  	_ =	shalt  }
0x54: {  	_ =	shalt  }
0x55: {  	_ =	shalt  }
0x56: {  	_ =	shalt  }
0x57: {  	_ =	shalt  }
0x58: {  	_ =	shalt  }
0x59: {  	_ =	shalt  }
0x5a: {  	_ =	shalt  }
0x5b: {  	_ =	shalt  }
0x5c: {  	_ =	shalt  }
0x5d: {  	_ =	shalt  }
0x5e: {  	_ =	shalt  }
0x5f: {  	_ =	shalt  }
0x60: {  	_ =	shalt  }
0x61: {  	_ =	shalt  }
0x62: {  	_ =	shalt  }
0x63: {  	_ =	shalt  }
0x64: {  	_ =	shalt  }
0x65: {  	_ =	shalt  }
0x66: {  	_ =	shalt  }
0x67: {  	_ =	shalt  }
0x68: {  	_ =	shalt  }
0x69: {  	_ =	shalt  }
0x6a: {  	_ =	shalt  }
0x6b: {  	_ =	shalt  }
0x6c: {  	_ =	shalt  }
0x6d: {  	_ =	shalt  }
0x6e: {  	_ =	shalt  }
0x6f: {  	_ =	shalt  }
0x70: {  	_ =	shalt  }
0x71: {  	_ =	shalt  }
0x72: {  	_ =	shalt  }
0x73: {  	_ =	shalt  }
0x74: {  	_ =	shalt  }
0x75: {  	_ =	shalt  }
0x76: {  	_ =	shalt  }
0x77: {  	_ =	shalt  }
0x78: {  	_ =	shalt  }
0x79: {  	_ =	shalt  }
0x7a: {  	_ =	shalt  }
0x7b: {  	_ =	shalt  }
0x7c: {  	_ =	shalt  }
0x7d: {  	_ =	shalt  }
0x7e: {  	_ =	shalt  }
0x7f: {  	_ =	shalt  }
0x80: {  	_ =	shalt  }
0x81: {  	_ =	shalt  }
0x82: {  	_ =	shalt  }
0x83: {  	_ =	shalt  }
0x84: {  	_ =	shalt  }
0x85: {  	_ =	shalt  }
0x86: {  	_ =	shalt  }
0x87: {  	_ =	shalt  }
.Lfunc_end0:
.L_simem_size_0:
called_computation_lowered:
.L_overlay_start_0:
0x88: {  	s2 =	sld [smem:$0x3FD9]  }
0x89: {  	s3 =	sld [smem:$0x3FFE];
	_ =	sdelay $0x1  }
0x8a: {  	s1 =	srdreg.scid  }
0x8b: {  	s0 =	sand.u32 $0x1, s1  }
0x8c: {  	s17 =	sshll.u32 s0, $0xA;
	s2 =	sadd.s32 s3, s2  }
0x8d: {  	s2 =	sadd.s32 s2, s17  }
0x8e: {  	[smem:$0x3FC6] =	sst s2  }
0x8f: {  	_ = 	snop  }
0x90: {  	s2 =	sld [smem:$0x3FC8]  }
0x91: {  	s18 =	sld [smem:$0x3FD0];
	(tm) =	ssettm $0x1  }
0x92: {  	s4 =	sld [smem:$0x3FFB];
	_ =	sdelay $0x3  }
0x93: {  	_ =	strace s4  }
0x94: {  	s4 =	sld [smem:$0x3FFC];
	_ =	sdelay $0x3  }
0x95: {  	_ =	strace s4  }
0x96: {  	s4 =	sld [smem:$0x3FFD];
	_ =	sdelay $0x3  }
0x97: {  	_ =	strace s4  }
0x98: {  	_ =	strace $0x8FFFFFFF  }
0x99: {  	s19 =	sld [smem:$0x3FDB];
	_ =	sdelay $0x1  }
0x9a: {  	s5 =	simm.s32 $_scs_section_size  }
0x9b: {  	s6 =	simm.s32 $_size__tile_overlayer_lowered;
	s7 =	simm.s32 $_tile_overlayer_lowered  }
0x9c: {  	s22 =	simm.s32 $0x1BFF;
	s21 =	sshll.u32 s7, $0x1;
	s4 =	sadd.s32 s5, s19  }
0x9d: {  	s8 =	simm.s32 $0x0;
	s20 =	sshll.u32 s6, $0x1;
	s6 =	sadd.s32 s21, s4  }
0x9e: {  	[timem:s8], [sflag:s22] =	dma.local [hbm:s6], s20  }
0x9f: {  	_ =	swait.ge [sflag:s22], s20  }
0xa0: {  	s5 =	ssub.s32 $0x0, s20;
	[sflag:s22] =	ssyncset.done $0x0  }
0xa1: {  	[sflag:s22] =	ssyncadd.s32 s5;
	_ =	sdelay $0x1  }
0xa2: {  	s23 =	simm.s32 $0x1B8B  }
0xa3: {  	_ =	swait.ge [sflag:s23], $0x1  }
0xa4: {  	[sflag:s23] =	ssyncset.done $0x0  }
0xa5: {  	s25 =	simm.s32 $0x1B8E;
	s24 =	sld [smem:$0x3FFE];
	[sflag:s23] =	ssyncadd.s32 $0xFFFFFFFF  }
0xa6: {  	s26 =	simm.s32 $execute0_lowered;
	[smem:$0x3FD2] =	sst s25  }
0xa7: {  	s6 =	sshll.u32 s26, $0x1;
	_ =	strace $0x80000046;
	[dreg:$0x1] =	wrdreg $0xFFFFFFFF  }
0xa8: {  	s28 =	simm.s32 $_size_execute0_lowered;
	s4 =	sadd.s32 s4, s6;
	[dreg:$0x0] =	wrdreg $0x0  }
0xa9: {  	s6 =	sshll.u32 s28, $0x1;
	[dreg:$0x2] =	wrdreg s4  }
0xaa: {  	[dreg:$0x3] =	wrdreg s6  }
0xab: {  	[dreg:$0x4] =	wrdreg $0xC0  }
0xac: {  	_ =	task [dreg:s8], $0x5FFFF  }
0xad: {  	[dreg:$0x1] =	wrdreg $0xFFFFFFFF  }
0xae: {  	[dreg:$0x0] =	wrdreg $0x60  }
0xaf: {  	[dreg:$0x2] =	wrdreg s24  }
0xb0: {  	[dreg:$0x3] =	wrdreg s2  }
0xb1: {  	[dreg:$0x4] =	wrdreg s18  }
0xb2: {  	[dreg:$0x5] =	wrdreg $0x9  }
0xb3: {  	_ =	task.clear_ibuf [dreg:s8], $0x6FFFF;
	_ =	strace $0x90000046  }
0xb4: {  	s29 =	simm.s32 $0x9;
	_ =	strace $0x80000048  }
0xb5: {  	_ =	swait.ge [sflag:s29], $0x1  }
0xb6: {  	[sflag:s29] =	ssyncadd.s32 $0xFFFFFFFF  }
0xb7: {  	_ =	strace $0x90000048  }
0xb8: {  	_ =	sfence  }
0xb9: {  	s30 =	sld [smem:$0x0];
	_ =	sdelay $0x2  }
0xba: {  	s31 =	sshll.u32 s1, $0xD;
	s1 =	sshrl.u32 s1, $0x2  }
0xbb: {  	s3 =	sand.u32 $0x4000, s31;
	s1 =	sadd.s32 s1, s30  }
0xbc: {  	s0 =	sor.u32 s3, s0;
	s1 =	sshll.u32 s1, $0x11  }
0xbd: {  	s0 =	sor.u32 s1, s0  }
0xbe: {  	s0 =	sadd.s32 $0x8F2B, s0  }
0xbf: {  	[sflag:s0] =	ssyncadd.remote.s32 $0x1  }
0xc0: {  	_ =	sfence.sel $0xFFFF  }
0xc1: {  	[dreg:$0x0] =	wrdreg $0xFFFFFFFF;
	(pc) =	sbr.abs _section_cstart, $3  }
0xc2: {  	[dreg:$0x1] =	wrdreg $0xFFFFFFFF  }
0xc3: {  	_ =	task.clear_ibuf [dreg:s8], $0x2FFFF;
	_ =	strace $0x9FFFFFFF  }
0xc4: {  	(tm) =	ssettm $0x7FFFFFFF  }
0xc5: {  	_ =	shalt  }
tec
execute0_lowered:
.L_overlay_start_1:
0x0: {  	(tag) =	ssettag $0x1  }
0x1: {  	s0 =	rddreg [dreg:$0x0]  }
0x2: {  	s2 =	rddreg [dreg:$0x1];
	s1 =	srdreg.scid  }
0x3: {  	s7 =	stileid.u32;
	s4 =	rddreg [dreg:$0x2]  }
0x4: {  	s3 =	simm.s32 $0x0;
	s31 =	simm.s32 $0x1200;
	s28 =	simm.s32 $0x3A00  }
0x5: {  	s30 =	simm.s32 $0x4A00;
	s13 =	simm.s32 $0x8A00;
	s11 =	simm.s32 $0x9200  }
0x6: {  	s29 =	simm.s32 $0xD200;
	s12 =	simm.s32 $0x5;
	s14 =	simm.s32 $0x3  }
0x7: {  	s15 =	simm.s32 $0x6;
	s16 =	simm.s32 $0x4;
	s17 =	simm.s32 $0x7  }
0x8: {  	s1 =	sand.u32 $0x1, s1;
	s5 =	sshll.u32 s7, $0x1;
	s7 =	smul.u32 $0x2400, s7  }
0x9: {  	s5 =	sor.u32 s1, s5;
	s6 =	ssub.s32 $0x2, s1;
	s1 =	smul.u32 $0x1200, s1  }
0xa: {  	[smem:$0x7FF] =	sst s3;
	s5 =	smul.u32 $0x1200, s5;
	s8 =	sshrl.u32 s6, $0x1  }
0xb: {  	_ =	strace $0x80000047;
	s8 =	ssub.s32 s6, s8;
	s18 =	sadd.s32 s1, s7  }
0xc: {  	s6 =	sadd.s32 $0x200, s2;
	s5 =	sshrl.u32 s5, $0x3;
	s1 =	sor.u32 $0x80, s18  }
0xd: {  	s20 =	sor.u32 $0xA0, s18;
	s21 =	sor.u32 $0x40, s18;
	s26 =	smax.u32 s8, $0x1  }
0xe: {  	s8 =	simm.s32 $0x6A00;
	s0 =	sadd.s32 s5, s0;
	s9 =	smul.u32 $0x300, s5  }
0xf: {  	s5 =	sadd.s32 $0x100, s2;
	s1 =	sshrl.u32 s1, $0x3;
	s7 =	sshrl.u32 s20, $0x3  }
0x10: {  	[dreg:$0xd] =	wrdreg s26;
	s20 =	simm.s32 $0x2200;
	s1 =	smul.u32 $0x300, s1  }
0x11: {  	s26 =	simm.s32 $0x3200;
	s0 =	sadd.s32 $0x400, s0;
	s7 =	smul.u32 $0x300, s7  }
0x12: {  	[dreg:$0x8] =	wrdreg s0;
	s10 =	sadd.s32 s4, s9;
	s9 =	sshrl.u32 s21, $0x3  }
0x13: {  	s0 =	sor.u32 $0x60, s18;
	s21 =	simm.s32 $0x1A00;
	s18 =	simm.s32 $0x8  }
0x14: {  	s19 =	sadd.s32 $0xC00, s10;
	s1 =	sadd.s32 s1, s4;
	[dreg:$0x9] =	wrdreg s10  }
0x15: {  	s9 =	smul.u32 $0x300, s9;
	s0 =	sshrl.u32 s0, $0x3;
	[dreg:$0xa] =	wrdreg s19  }
0x16: {  	s22 =	sadd.s32 s7, s4;
	s23 =	sadd.s32 $0x6A800, s10;
	[dreg:$0x4] =	wrdreg s1  }
0x17: {  	s25 =	sadd.s32 $0x6B400, s10;
	s10 =	simm.s32 $0x8200;
	[dreg:$0xb] =	wrdreg s23  }
0x18: {  	s7 =	simm.s32 $0x2;
	s0 =	smul.u32 $0x300, s0;
	[dreg:$0x5] =	wrdreg s22  }
0x19: {  	[dreg:$0xc] =	wrdreg s25;
	s22 =	simm.s32 $0x2A00;
	s25 =	simm.s32 $0x4200  }
0x1a: {  	s1 =	simm.s32 $0x5200;
	s23 =	simm.s32 $0x1;
	s19 =	simm.s32 $0x0  }
0x1b: {  	v2 =	vlaneseq.u32;
	s24 =	sadd.s32 s9, s4;
	s9 =	simm.s32 $0x7A00;
	[dreg:$0xe] =	wrdreg s19  }
0x1c: {  	vm0 =	vmmov $0xffff;
	v1 =	vshrl.u32 v2, $0x3;
	[dreg:$0x6] =	wrdreg s24;
	s0 =	sadd.s32 s0, s4;
	s4 =	simm.s32 $0x6200  }
0x1d: {  	v0 =	vand.u32 $0x7, v2;
	v2 =	vor.u32 $0x8, v2;
	v1 =	vmul.u32 $0x8, v1;
	s24 =	simm.s32 $0x13200;
	[dreg:$0x7] =	wrdreg s0;
	s0 =	simm.s32 $0x5A00  }
.LBB2_1:
0x1e: {  	s19 =	rddreg [dreg:$0x8]  }
0x1f: {  	[tilespmem:s3], [sflag:$0x9] =	stream.linear.gather [hbm4b:s19+s3], $0x1200, $0x38;
	[tilespmem:$0x19200] =	vst v63  }
0x20: {  	s19 =	simm.s32 $0x9  }
0x21: {  	_ =	swait.ge [sflag:s19], $0x1200  }
0x22: {  	[sflag:s19] =	ssyncset.done $0x0  }
0x23: {  	[sflag:s19] =	ssyncadd.s32 $0xFFFFEE00  }
0x24: {  	v3 =	vld [tilespmem:$0x0];
	_ =	sdelay $0x4  }
0x25: {  	v4 =	vshrl.u32 v3, $0x3  }
0x26: {  	v4 =	vmul.u32 $0x30, v4  }
0x27: {  	v3 =	vand.u32 $0x7, v3  }
0x28: {  	v3 =	vor.u32 v3, v4  }
0x29: {  	v4 =	vperm.xlane v3, v0;
	_ =	sdelay $0x1  }
0x2a: {  	v4 =	vadd.s32 v1, v4;
	_ =	sdelay $0x3  }
0x2b: {  	v3 =	vperm.xlane v3, v2  }
0x2c: {  	[tilespmem:s31], [sflag:$0x1] =	stream.indirect_vreg.gather [hbm4b:s2+s3], $0x80, v4, vm0, $0xb8;
	[tilespmem:$0x19200] =	vst v63  }
0x2d: {  	v3 =	vadd.s32 v1, v3  }
0x2e: {  	[tilespmem:s21], [sflag:$0x1] =	stream.indirect_vreg.gather [hbm4b:s5+s3], $0x80, v4, vm0, $0xb8;
	[tilespmem:$0x19200] =	vst v63  }
0x2f: {  	_ = 	snop  }
0x30: {  	[tilespmem:s20], [sflag:$0x1] =	stream.indirect_vreg.gather [hbm4b:s6+s3], $0x80, v4, vm0, $0xb8;
	[tilespmem:$0x19200] =	vst v63  }
0x31: {  	_ = 	snop  }
0x32: {  	[tilespmem:s22], [sflag:$0x1] =	stream.indirect_vreg.gather [hbm4b:s2+s3], $0x80, v3, vm0, $0xb8;
	[tilespmem:$0x19200] =	vst v63  }
0x33: {  	_ = 	snop  }
0x34: {  	[tilespmem:s26], [sflag:$0x1] =	stream.indirect_vreg.gather [hbm4b:s5+s3], $0x80, v3, vm0, $0xb8;
	[tilespmem:$0x19200] =	vst v63  }
0x35: {  	_ = 	snop  }
0x36: {  	[tilespmem:s28], [sflag:$0x1] =	stream.indirect_vreg.gather [hbm4b:s6+s3], $0x80, v3, vm0, $0xb8;
	[tilespmem:$0x19200] =	vst v63  }
0x37: {  	v3 =	vld [tilespmem:$0x10];
	_ =	sdelay $0x4  }
0x38: {  	v57 =	vshrl.u32 v3, $0x3  }
0x39: {  	v4 =	vmul.u32 $0x30, v57  }
0x3a: {  	v3 =	vand.u32 $0x7, v3  }
0x3b: {  	v3 =	vor.u32 v3, v4  }
0x3c: {  	v4 =	vperm.xlane v3, v0;
	_ =	sdelay $0x1  }
0x3d: {  	v4 =	vadd.s32 v1, v4;
	_ =	sdelay $0x3  }
0x3e: {  	v3 =	vperm.xlane v3, v2  }
0x3f: {  	[tilespmem:s25], [sflag:$0x1] =	stream.indirect_vreg.gather [hbm4b:s2+s3], $0x80, v4, vm0, $0xb8;
	[tilespmem:$0x19200] =	vst v63  }
0x40: {  	v3 =	vadd.s32 v1, v3  }
0x41: {  	[tilespmem:s30], [sflag:$0x1] =	stream.indirect_vreg.gather [hbm4b:s5+s3], $0x80, v4, vm0, $0xb8;
	[tilespmem:$0x19200] =	vst v63  }
0x42: {  	_ = 	snop  }
0x43: {  	[tilespmem:s1], [sflag:$0x1] =	stream.indirect_vreg.gather [hbm4b:s6+s3], $0x80, v4, vm0, $0xb8;
	[tilespmem:$0x19200] =	vst v63  }
0x44: {  	_ = 	snop  }
0x45: {  	[tilespmem:s0], [sflag:$0x1] =	stream.indirect_vreg.gather [hbm4b:s2+s3], $0x80, v3, vm0, $0xb8;
	[tilespmem:$0x19200] =	vst v63  }
0x46: {  	_ = 	snop  }
0x47: {  	[tilespmem:s4], [sflag:$0x1] =	stream.indirect_vreg.gather [hbm4b:s5+s3], $0x80, v3, vm0, $0xb8;
	[tilespmem:$0x19200] =	vst v63  }
0x48: {  	_ = 	snop  }
0x49: {  	[tilespmem:s8], [sflag:$0x1] =	stream.indirect_vreg.gather [hbm4b:s6+s3], $0x80, v3, vm0, $0xb8;
	[tilespmem:$0x19200] =	vst v63  }
0x4a: {  	v3 =	vld [tilespmem:$0x20];
	_ =	sdelay $0x4  }
0x4b: {  	v58 =	vshrl.u32 v3, $0x3  }
0x4c: {  	v4 =	vmul.u32 $0x30, v58  }
0x4d: {  	v3 =	vand.u32 $0x7, v3  }
0x4e: {  	v3 =	vor.u32 v3, v4  }
0x4f: {  	v4 =	vperm.xlane v3, v0;
	_ =	sdelay $0x1  }
0x50: {  	v4 =	vadd.s32 v1, v4;
	_ =	sdelay $0x3  }
0x51: {  	s1 =	simm.s32 $0x7200;
	v3 =	vperm.xlane v3, v2  }
0x52: {  	[tilespmem:s1], [sflag:$0x2] =	stream.indirect_vreg.gather [hbm4b:s2+s3], $0x80, v4, vm0, $0xb8;
	[tilespmem:$0x19200] =	vst v63  }
0x53: {  	v3 =	vadd.s32 v1, v3  }
0x54: {  	[tilespmem:s9], [sflag:$0x2] =	stream.indirect_vreg.gather [hbm4b:s5+s3], $0x80, v4, vm0, $0xb8;
	[tilespmem:$0x19200] =	vst v63  }
0x55: {  	_ = 	snop  }
0x56: {  	[tilespmem:s10], [sflag:$0x2] =	stream.indirect_vreg.gather [hbm4b:s6+s3], $0x80, v4, vm0, $0xb8;
	[tilespmem:$0x19200] =	vst v63  }
0x57: {  	_ = 	snop  }
0x58: {  	[tilespmem:s13], [sflag:$0x2] =	stream.indirect_vreg.gather [hbm4b:s2+s3], $0x80, v3, vm0, $0xb8;
	[tilespmem:$0x19200] =	vst v63  }
0x59: {  	_ = 	snop  }
0x5a: {  	[tilespmem:s11], [sflag:$0x2] =	stream.indirect_vreg.gather [hbm4b:s5+s3], $0x80, v3, vm0, $0xb8;
	[tilespmem:$0x19200] =	vst v63  }
0x5b: {  	s13 =	simm.s32 $0x9A00  }
0x5c: {  	[tilespmem:s13], [sflag:$0x2] =	stream.indirect_vreg.gather [hbm4b:s6+s3], $0x80, v3, vm0, $0xb8;
	[tilespmem:$0x19200] =	vst v63  }
0x5d: {  	v3 =	vld [tilespmem:$0x30];
	_ =	sdelay $0x4  }
0x5e: {  	v59 =	vshrl.u32 v3, $0x3  }
0x5f: {  	v4 =	vmul.u32 $0x30, v59  }
0x60: {  	v3 =	vand.u32 $0x7, v3  }
0x61: {  	v3 =	vor.u32 v3, v4  }
0x62: {  	v4 =	vperm.xlane v3, v0;
	_ =	sdelay $0x1  }
0x63: {  	v4 =	vadd.s32 v1, v4;
	_ =	sdelay $0x3  }
0x64: {  	s19 =	simm.s32 $0xA200;
	v3 =	vperm.xlane v3, v2  }
0x65: {  	[tilespmem:s19], [sflag:$0x2] =	stream.indirect_vreg.gather [hbm4b:s2+s3], $0x80, v4, vm0, $0xb8;
	[tilespmem:$0x19200] =	vst v63  }
0x66: {  	s20 =	simm.s32 $0xAA00;
	v3 =	vadd.s32 v1, v3  }
0x67: {  	[tilespmem:s20], [sflag:$0x2] =	stream.indirect_vreg.gather [hbm4b:s5+s3], $0x80, v4, vm0, $0xb8;
	[tilespmem:$0x19200] =	vst v63  }
0x68: {  	s22 =	simm.s32 $0xB200  }
0x69: {  	[tilespmem:s22], [sflag:$0x2] =	stream.indirect_vreg.gather [hbm4b:s6+s3], $0x80, v4, vm0, $0xb8;
	[tilespmem:$0x19200] =	vst v63  }
0x6a: {  	s25 =	simm.s32 $0xBA00  }
0x6b: {  	[tilespmem:s25], [sflag:$0x2] =	stream.indirect_vreg.gather [hbm4b:s2+s3], $0x80, v3, vm0, $0xb8;
	[tilespmem:$0x19200] =	vst v63  }
0x6c: {  	s26 =	simm.s32 $0xC200  }
0x6d: {  	[tilespmem:s26], [sflag:$0x2] =	stream.indirect_vreg.gather [hbm4b:s5+s3], $0x80, v3, vm0, $0xb8;
	[tilespmem:$0x19200] =	vst v63  }
0x6e: {  	s4 =	simm.s32 $0xCA00  }
0x6f: {  	[tilespmem:s4], [sflag:$0x2] =	stream.indirect_vreg.gather [hbm4b:s6+s3], $0x80, v3, vm0, $0xb8;
	[tilespmem:$0x19200] =	vst v63  }
0x70: {  	v3 =	vld [tilespmem:$0x40];
	_ =	sdelay $0x4  }
0x71: {  	v60 =	vshrl.u32 v3, $0x3  }
0x72: {  	v4 =	vmul.u32 $0x30, v60  }
0x73: {  	v3 =	vand.u32 $0x7, v3  }
0x74: {  	v3 =	vor.u32 v3, v4  }
0x75: {  	v4 =	vperm.xlane v3, v0;
	_ =	sdelay $0x1  }
0x76: {  	v4 =	vadd.s32 v1, v4;
	_ =	sdelay $0x3  }
0x77: {  	v3 =	vperm.xlane v3, v2  }
0x78: {  	[tilespmem:s29], [sflag:$0x3] =	stream.indirect_vreg.gather [hbm4b:s2+s3], $0x80, v4, vm0, $0xb8;
	[tilespmem:$0x19200] =	vst v63  }
0x79: {  	s8 =	simm.s32 $0xDA00;
	v3 =	vadd.s32 v1, v3  }
0x7a: {  	[tilespmem:s8], [sflag:$0x3] =	stream.indirect_vreg.gather [hbm4b:s5+s3], $0x80, v4, vm0, $0xb8;
	[tilespmem:$0x19200] =	vst v63  }
0x7b: {  	s9 =	simm.s32 $0xE200  }
0x7c: {  	[tilespmem:s9], [sflag:$0x3] =	stream.indirect_vreg.gather [hbm4b:s6+s3], $0x80, v4, vm0, $0xb8;
	[tilespmem:$0x19200] =	vst v63  }
0x7d: {  	s10 =	simm.s32 $0xEA00  }
0x7e: {  	[tilespmem:s10], [sflag:$0x3] =	stream.indirect_vreg.gather [hbm4b:s2+s3], $0x80, v3, vm0, $0xb8;
	[tilespmem:$0x19200] =	vst v63  }
0x7f: {  	s11 =	simm.s32 $0xF200  }
0x80: {  	[tilespmem:s11], [sflag:$0x3] =	stream.indirect_vreg.gather [hbm4b:s5+s3], $0x80, v3, vm0, $0xb8;
	[tilespmem:$0x19200] =	vst v63  }
0x81: {  	s13 =	simm.s32 $0xFA00  }
0x82: {  	[tilespmem:s13], [sflag:$0x3] =	stream.indirect_vreg.gather [hbm4b:s6+s3], $0x80, v3, vm0, $0xb8;
	[tilespmem:$0x19200] =	vst v63  }
0x83: {  	v3 =	vld [tilespmem:$0x50];
	_ =	sdelay $0x4  }
0x84: {  	v61 =	vshrl.u32 v3, $0x3  }
0x85: {  	v4 =	vmul.u32 $0x30, v61  }
0x86: {  	v3 =	vand.u32 $0x7, v3  }
0x87: {  	v3 =	vor.u32 v3, v4  }
0x88: {  	v4 =	vperm.xlane v3, v0;
	_ =	sdelay $0x1  }
0x89: {  	v4 =	vadd.s32 v1, v4;
	_ =	sdelay $0x3  }
0x8a: {  	s19 =	simm.s32 $0x10200;
	v3 =	vperm.xlane v3, v2  }
0x8b: {  	[tilespmem:s19], [sflag:$0x3] =	stream.indirect_vreg.gather [hbm4b:s2+s3], $0x80, v4, vm0, $0xb8;
	[tilespmem:$0x19200] =	vst v63  }
0x8c: {  	s20 =	simm.s32 $0x10A00;
	v3 =	vadd.s32 v1, v3  }
0x8d: {  	[tilespmem:s20], [sflag:$0x3] =	stream.indirect_vreg.gather [hbm4b:s5+s3], $0x80, v4, vm0, $0xb8;
	[tilespmem:$0x19200] =	vst v63  }
0x8e: {  	s22 =	simm.s32 $0x11200  }
0x8f: {  	[tilespmem:s22], [sflag:$0x3] =	stream.indirect_vreg.gather [hbm4b:s6+s3], $0x80, v4, vm0, $0xb8;
	[tilespmem:$0x19200] =	vst v63  }
0x90: {  	s25 =	simm.s32 $0x11A00  }
0x91: {  	[tilespmem:s25], [sflag:$0x3] =	stream.indirect_vreg.gather [hbm4b:s2+s3], $0x80, v3, vm0, $0xb8;
	[tilespmem:$0x19200] =	vst v63  }
0x92: {  	s26 =	simm.s32 $0x12200  }
0x93: {  	[tilespmem:s26], [sflag:$0x3] =	stream.indirect_vreg.gather [hbm4b:s5+s3], $0x80, v3, vm0, $0xb8;
	[tilespmem:$0x19200] =	vst v63  }
0x94: {  	s29 =	simm.s32 $0x12A00  }
0x95: {  	[tilespmem:s29], [sflag:$0x3] =	stream.indirect_vreg.gather [hbm4b:s6+s3], $0x80, v3, vm0, $0xb8;
	[tilespmem:$0x19200] =	vst v63  }
0x96: {  	_ =	swait.ge [sflag:s23], $0x6000  }
0x97: {  	[sflag:s23] =	ssyncset.done $0x0  }
0x98: {  	s4 =	rddreg [dreg:$0x9];
	[sflag:s23] =	ssyncadd.s32 $0xFFFFA000  }
0x99: {  	[hbm4b:s4+s3] =	stream.linear.scatter [tilespmem:s31], [sflag:$0x5], $0x6000, $0x38;
	[tilespmem:$0x19200] =	vst v63  }
0x9a: {  	v3 =	vld [tilespmem:$0x60];
	_ =	sdelay $0x4  }
0x9b: {  	v62 =	vshrl.u32 v3, $0x3  }
0x9c: {  	v4 =	vmul.u32 $0x30, v62  }
0x9d: {  	v3 =	vand.u32 $0x7, v3  }
0x9e: {  	v3 =	vor.u32 v3, v4  }
0x9f: {  	v4 =	vperm.xlane v3, v0;
	_ =	sdelay $0x1  }
0xa0: {  	v4 =	vadd.s32 v1, v4;
	_ =	sdelay $0x3  }
0xa1: {  	v3 =	vperm.xlane v3, v2  }
0xa2: {  	[tilespmem:s24], [sflag:$0x4] =	stream.indirect_vreg.gather [hbm4b:s2+s3], $0x80, v4, vm0, $0xb8;
	[tilespmem:$0x19200] =	vst v63  }
0xa3: {  	s8 =	simm.s32 $0x13A00;
	v3 =	vadd.s32 v1, v3  }
0xa4: {  	[tilespmem:s8], [sflag:$0x4] =	stream.indirect_vreg.gather [hbm4b:s5+s3], $0x80, v4, vm0, $0xb8;
	[tilespmem:$0x19200] =	vst v63  }
0xa5: {  	s9 =	simm.s32 $0x14200  }
0xa6: {  	[tilespmem:s9], [sflag:$0x4] =	stream.indirect_vreg.gather [hbm4b:s6+s3], $0x80, v4, vm0, $0xb8;
	[tilespmem:$0x19200] =	vst v63  }
0xa7: {  	s10 =	simm.s32 $0x14A00  }
0xa8: {  	[tilespmem:s10], [sflag:$0x4] =	stream.indirect_vreg.gather [hbm4b:s2+s3], $0x80, v3, vm0, $0xb8;
	[tilespmem:$0x19200] =	vst v63  }
0xa9: {  	s11 =	simm.s32 $0x15200  }
0xaa: {  	[tilespmem:s11], [sflag:$0x4] =	stream.indirect_vreg.gather [hbm4b:s5+s3], $0x80, v3, vm0, $0xb8;
	[tilespmem:$0x19200] =	vst v63  }
0xab: {  	s13 =	simm.s32 $0x15A00  }
0xac: {  	[tilespmem:s13], [sflag:$0x4] =	stream.indirect_vreg.gather [hbm4b:s6+s3], $0x80, v3, vm0, $0xb8;
	[tilespmem:$0x19200] =	vst v63  }
0xad: {  	v3 =	vld [tilespmem:$0x70];
	_ =	sdelay $0x4  }
0xae: {  	v63 =	vshrl.u32 v3, $0x3  }
0xaf: {  	v4 =	vmul.u32 $0x30, v63  }
0xb0: {  	v3 =	vand.u32 $0x7, v3  }
0xb1: {  	v3 =	vor.u32 v3, v4  }
0xb2: {  	v4 =	vperm.xlane v3, v0;
	_ =	sdelay $0x1  }
0xb3: {  	v4 =	vadd.s32 v1, v4;
	_ =	sdelay $0x3  }
0xb4: {  	s19 =	simm.s32 $0x16200;
	v3 =	vperm.xlane v3, v2  }
0xb5: {  	[tilespmem:s19], [sflag:$0x4] =	stream.indirect_vreg.gather [hbm4b:s2+s3], $0x80, v4, vm0, $0xb8;
	[tilespmem:$0x19200] =	vst v63  }
0xb6: {  	s20 =	simm.s32 $0x16A00;
	v3 =	vadd.s32 v1, v3  }
0xb7: {  	[tilespmem:s20], [sflag:$0x4] =	stream.indirect_vreg.gather [hbm4b:s5+s3], $0x80, v4, vm0, $0xb8;
	[tilespmem:$0x19200] =	vst v63  }
0xb8: {  	s28 =	simm.s32 $0x3200;
	s22 =	simm.s32 $0x17200  }
0xb9: {  	[tilespmem:s22], [sflag:$0x4] =	stream.indirect_vreg.gather [hbm4b:s6+s3], $0x80, v4, vm0, $0xb8;
	[tilespmem:$0x19200] =	vst v63  }
0xba: {  	s30 =	simm.s32 $0x4200;
	s0 =	simm.s32 $0x5A00;
	s25 =	simm.s32 $0x17A00  }
0xbb: {  	[tilespmem:s25], [sflag:$0x4] =	stream.indirect_vreg.gather [hbm4b:s2+s3], $0x80, v3, vm0, $0xb8;
	[tilespmem:$0x19200] =	vst v63  }
0xbc: {  	s26 =	simm.s32 $0x18200;
	s29 =	simm.s32 $0x18A00;
	s4 =	simm.s32 $0x6200  }
0xbd: {  	[tilespmem:s26], [sflag:$0x4] =	stream.indirect_vreg.gather [hbm4b:s5+s3], $0x80, v3, vm0, $0xb8;
	[tilespmem:$0x19200] =	vst v63  }
0xbe: {  	s8 =	simm.s32 $0x6A00;
	s9 =	simm.s32 $0x7A00;
	s10 =	simm.s32 $0x8200  }
0xbf: {  	[tilespmem:s29], [sflag:$0x4] =	stream.indirect_vreg.gather [hbm4b:s6+s3], $0x80, v3, vm0, $0xb8;
	[tilespmem:$0x19200] =	vst v63  }
0xc0: {  	s11 =	simm.s32 $0x7200;
	s13 =	simm.s32 $0x8A00;
	_ =	swait.ge [sflag:s7], $0x6000  }
0xc1: {  	s19 =	simm.s32 $0xF0;
	s20 =	simm.s32 $0x0;
	[sflag:s7] =	ssyncset.done $0x0  }
0xc2: {  	s22 =	simm.s32 $0x2200;
	s31 =	rddreg [dreg:$0xa];
	[sflag:s7] =	ssyncadd.s32 $0xFFFFA000  }
0xc3: {  	[hbm4b:s31+s3] =	stream.linear.scatter [tilespmem:s1], [sflag:$0x6], $0x6000, $0x38;
	[tilespmem:$0x19200] =	vst v63  }
0xc4: {  	s25 =	simm.s32 $0x1200;
	s26 =	simm.s32 $0x9200;
	s1 =	simm.s32 $0x5200  }
.LBB2_2:
0xc5: {  	_ =	swait.ge [sflag:s12], $0x6000  }
0xc6: {  	[sflag:s12] =	ssyncset.done $0x0  }
0xc7: {  	[sflag:s12] =	ssyncadd.s32 $0xFFFFA000  }
0xc8: {  	v3 =	vld [tilespmem:s19+$0xFFFFFF90];
	_ =	sdelay $0x4  }
0xc9: {  	v4 =	vshrl.u32 v3, $0x3  }
0xca: {  	v4 =	vmul.u32 $0x30, v4  }
0xcb: {  	v3 =	vand.u32 $0x7, v3  }
0xcc: {  	v3 =	vor.u32 v3, v4  }
0xcd: {  	v4 =	vperm.xlane v3, v0;
	_ =	sdelay $0x1  }
0xce: {  	v4 =	vadd.s32 v1, v4;
	_ =	sdelay $0x3  }
0xcf: {  	v3 =	vperm.xlane v3, v2  }
0xd0: {  	[tilespmem:s25], [sflag:$0x1] =	stream.indirect_vreg.gather [hbm4b:s2+s3], $0x80, v4, vm0, $0xb8;
	[tilespmem:$0x19200] =	vst v63  }
0xd1: {  	v3 =	vadd.s32 v1, v3  }
0xd2: {  	[tilespmem:s21], [sflag:$0x1] =	stream.indirect_vreg.gather [hbm4b:s5+s3], $0x80, v4, vm0, $0xb8;
	[tilespmem:$0x19200] =	vst v63  }
0xd3: {  	_ = 	snop  }
0xd4: {  	[tilespmem:s22], [sflag:$0x1] =	stream.indirect_vreg.gather [hbm4b:s6+s3], $0x80, v4, vm0, $0xb8;
	[tilespmem:$0x19200] =	vst v63  }
0xd5: {  	s31 =	simm.s32 $0x2A00  }
0xd6: {  	[tilespmem:s31], [sflag:$0x1] =	stream.indirect_vreg.gather [hbm4b:s2+s3], $0x80, v3, vm0, $0xb8;
	[tilespmem:$0x19200] =	vst v63  }
0xd7: {  	_ = 	snop  }
0xd8: {  	[tilespmem:s28], [sflag:$0x1] =	stream.indirect_vreg.gather [hbm4b:s5+s3], $0x80, v3, vm0, $0xb8;
	[tilespmem:$0x19200] =	vst v63  }
0xd9: {  	s31 =	simm.s32 $0x3A00  }
0xda: {  	[tilespmem:s31], [sflag:$0x1] =	stream.indirect_vreg.gather [hbm4b:s6+s3], $0x80, v3, vm0, $0xb8;
	[tilespmem:$0x19200] =	vst v63  }
0xdb: {  	v3 =	vld [tilespmem:s19+$0xFFFFFFA0];
	_ =	sdelay $0x4  }
0xdc: {  	v57 =	vshrl.u32 v3, $0x3  }
0xdd: {  	v4 =	vmul.u32 $0x30, v57  }
0xde: {  	v3 =	vand.u32 $0x7, v3  }
0xdf: {  	v3 =	vor.u32 v3, v4  }
0xe0: {  	v4 =	vperm.xlane v3, v0;
	_ =	sdelay $0x1  }
0xe1: {  	v4 =	vadd.s32 v1, v4;
	_ =	sdelay $0x3  }
0xe2: {  	v3 =	vperm.xlane v3, v2  }
0xe3: {  	[tilespmem:s30], [sflag:$0x1] =	stream.indirect_vreg.gather [hbm4b:s2+s3], $0x80, v4, vm0, $0xb8;
	[tilespmem:$0x19200] =	vst v63  }
0xe4: {  	s31 =	simm.s32 $0x4A00;
	v3 =	vadd.s32 v1, v3  }
0xe5: {  	[tilespmem:s31], [sflag:$0x1] =	stream.indirect_vreg.gather [hbm4b:s5+s3], $0x80, v4, vm0, $0xb8;
	[tilespmem:$0x19200] =	vst v63  }
0xe6: {  	_ = 	snop  }
0xe7: {  	[tilespmem:s1], [sflag:$0x1] =	stream.indirect_vreg.gather [hbm4b:s6+s3], $0x80, v4, vm0, $0xb8;
	[tilespmem:$0x19200] =	vst v63  }
0xe8: {  	_ = 	snop  }
0xe9: {  	[tilespmem:s0], [sflag:$0x1] =	stream.indirect_vreg.gather [hbm4b:s2+s3], $0x80, v3, vm0, $0xb8;
	[tilespmem:$0x19200] =	vst v63  }
0xea: {  	_ = 	snop  }
0xeb: {  	[tilespmem:s4], [sflag:$0x1] =	stream.indirect_vreg.gather [hbm4b:s5+s3], $0x80, v3, vm0, $0xb8;
	[tilespmem:$0x19200] =	vst v63  }
0xec: {  	_ = 	snop  }
0xed: {  	[tilespmem:s8], [sflag:$0x1] =	stream.indirect_vreg.gather [hbm4b:s6+s3], $0x80, v3, vm0, $0xb8;
	[tilespmem:$0x19200] =	vst v63  }
0xee: {  	_ =	swait.ge [sflag:s14], $0x6000  }
0xef: {  	s31 =	rddreg [dreg:$0x6];
	[sflag:s14] =	ssyncset.done $0x0  }
0xf0: {  	[sflag:s14] =	ssyncadd.s32 $0xFFFFA000;
	s21 =	sadd.s32 s20, s31;
	s31 =	simm.s32 $0xD200  }
0xf1: {  	[hbm4b:s21+s3] =	stream.linear.scatter [tilespmem:s31], [sflag:$0x7], $0x6000, $0x38;
	[tilespmem:$0x19200] =	vst v63  }
0xf2: {  	_ =	swait.ge [sflag:s15], $0x6000  }
0xf3: {  	[sflag:s15] =	ssyncset.done $0x0  }
0xf4: {  	[sflag:s15] =	ssyncadd.s32 $0xFFFFA000  }
0xf5: {  	v3 =	vld [tilespmem:s19+$0xFFFFFFB0];
	_ =	sdelay $0x4  }
0xf6: {  	v58 =	vshrl.u32 v3, $0x3  }
0xf7: {  	v4 =	vmul.u32 $0x30, v58  }
0xf8: {  	v3 =	vand.u32 $0x7, v3  }
0xf9: {  	v3 =	vor.u32 v3, v4  }
0xfa: {  	v4 =	vperm.xlane v3, v0;
	_ =	sdelay $0x1  }
0xfb: {  	v4 =	vadd.s32 v1, v4;
	_ =	sdelay $0x3  }
0xfc: {  	v3 =	vperm.xlane v3, v2  }
0xfd: {  	[tilespmem:s11], [sflag:$0x2] =	stream.indirect_vreg.gather [hbm4b:s2+s3], $0x80, v4, vm0, $0xb8;
	[tilespmem:$0x19200] =	vst v63  }
0xfe: {  	v3 =	vadd.s32 v1, v3  }
0xff: {  	[tilespmem:s9], [sflag:$0x2] =	stream.indirect_vreg.gather [hbm4b:s5+s3], $0x80, v4, vm0, $0xb8;
	[tilespmem:$0x19200] =	vst v63  }
0x100: {  	_ = 	snop  }
0x101: {  	[tilespmem:s10], [sflag:$0x2] =	stream.indirect_vreg.gather [hbm4b:s6+s3], $0x80, v4, vm0, $0xb8;
	[tilespmem:$0x19200] =	vst v63  }
0x102: {  	_ = 	snop  }
0x103: {  	[tilespmem:s13], [sflag:$0x2] =	stream.indirect_vreg.gather [hbm4b:s2+s3], $0x80, v3, vm0, $0xb8;
	[tilespmem:$0x19200] =	vst v63  }
0x104: {  	_ = 	snop  }
0x105: {  	[tilespmem:s26], [sflag:$0x2] =	stream.indirect_vreg.gather [hbm4b:s5+s3], $0x80, v3, vm0, $0xb8;
	[tilespmem:$0x19200] =	vst v63  }
0x106: {  	s21 =	simm.s32 $0x9A00  }
0x107: {  	[tilespmem:s21], [sflag:$0x2] =	stream.indirect_vreg.gather [hbm4b:s6+s3], $0x80, v3, vm0, $0xb8;
	[tilespmem:$0x19200] =	vst v63  }
0x108: {  	v3 =	vld [tilespmem:s19+$0xFFFFFFC0];
	_ =	sdelay $0x4  }
0x109: {  	v59 =	vshrl.u32 v3, $0x3  }
0x10a: {  	v4 =	vmul.u32 $0x30, v59  }
0x10b: {  	v3 =	vand.u32 $0x7, v3  }
0x10c: {  	v3 =	vor.u32 v3, v4  }
0x10d: {  	v4 =	vperm.xlane v3, v0;
	_ =	sdelay $0x1  }
0x10e: {  	v4 =	vadd.s32 v1, v4;
	_ =	sdelay $0x3  }
0x10f: {  	s21 =	simm.s32 $0xA200;
	v3 =	vperm.xlane v3, v2  }
0x110: {  	[tilespmem:s21], [sflag:$0x2] =	stream.indirect_vreg.gather [hbm4b:s2+s3], $0x80, v4, vm0, $0xb8;
	[tilespmem:$0x19200] =	vst v63  }
0x111: {  	v3 =	vadd.s32 v1, v3;
	s21 =	simm.s32 $0xAA00  }
0x112: {  	[tilespmem:s21], [sflag:$0x2] =	stream.indirect_vreg.gather [hbm4b:s5+s3], $0x80, v4, vm0, $0xb8;
	[tilespmem:$0x19200] =	vst v63  }
0x113: {  	s21 =	simm.s32 $0xB200  }
0x114: {  	[tilespmem:s21], [sflag:$0x2] =	stream.indirect_vreg.gather [hbm4b:s6+s3], $0x80, v4, vm0, $0xb8;
	[tilespmem:$0x19200] =	vst v63  }
0x115: {  	s21 =	simm.s32 $0xBA00  }
0x116: {  	[tilespmem:s21], [sflag:$0x2] =	stream.indirect_vreg.gather [hbm4b:s2+s3], $0x80, v3, vm0, $0xb8;
	[tilespmem:$0x19200] =	vst v63  }
0x117: {  	s21 =	simm.s32 $0xC200  }
0x118: {  	[tilespmem:s21], [sflag:$0x2] =	stream.indirect_vreg.gather [hbm4b:s5+s3], $0x80, v3, vm0, $0xb8;
	[tilespmem:$0x19200] =	vst v63  }
0x119: {  	s21 =	simm.s32 $0xCA00  }
0x11a: {  	[tilespmem:s21], [sflag:$0x2] =	stream.indirect_vreg.gather [hbm4b:s6+s3], $0x80, v3, vm0, $0xb8;
	[tilespmem:$0x19200] =	vst v63  }
0x11b: {  	_ =	swait.ge [sflag:s16], $0x6000  }
0x11c: {  	s21 =	rddreg [dreg:$0x7];
	[sflag:s16] =	ssyncset.done $0x0  }
0x11d: {  	[sflag:s16] =	ssyncadd.s32 $0xFFFFA000;
	s21 =	sadd.s32 s20, s21  }
0x11e: {  	[hbm4b:s21+s3] =	stream.linear.scatter [tilespmem:s24], [sflag:$0x8], $0x6000, $0x38;
	[tilespmem:$0x19200] =	vst v63  }
0x11f: {  	_ =	swait.ge [sflag:s17], $0x6000  }
0x120: {  	[sflag:s17] =	ssyncset.done $0x0  }
0x121: {  	[sflag:s17] =	ssyncadd.s32 $0xFFFFA000  }
0x122: {  	v3 =	vld [tilespmem:s19+$0xFFFFFFD0];
	_ =	sdelay $0x4  }
0x123: {  	v60 =	vshrl.u32 v3, $0x3  }
0x124: {  	v4 =	vmul.u32 $0x30, v60  }
0x125: {  	v3 =	vand.u32 $0x7, v3  }
0x126: {  	v3 =	vor.u32 v3, v4  }
0x127: {  	v4 =	vperm.xlane v3, v0;
	_ =	sdelay $0x1  }
0x128: {  	v4 =	vadd.s32 v1, v4;
	_ =	sdelay $0x3  }
0x129: {  	v3 =	vperm.xlane v3, v2  }
0x12a: {  	[tilespmem:s31], [sflag:$0x3] =	stream.indirect_vreg.gather [hbm4b:s2+s3], $0x80, v4, vm0, $0xb8;
	[tilespmem:$0x19200] =	vst v63  }
0x12b: {  	v3 =	vadd.s32 v1, v3;
	s31 =	simm.s32 $0xDA00  }
0x12c: {  	[tilespmem:s31], [sflag:$0x3] =	stream.indirect_vreg.gather [hbm4b:s5+s3], $0x80, v4, vm0, $0xb8;
	[tilespmem:$0x19200] =	vst v63  }
0x12d: {  	s31 =	simm.s32 $0xE200  }
0x12e: {  	[tilespmem:s31], [sflag:$0x3] =	stream.indirect_vreg.gather [hbm4b:s6+s3], $0x80, v4, vm0, $0xb8;
	[tilespmem:$0x19200] =	vst v63  }
0x12f: {  	s31 =	simm.s32 $0xEA00  }
0x130: {  	[tilespmem:s31], [sflag:$0x3] =	stream.indirect_vreg.gather [hbm4b:s2+s3], $0x80, v3, vm0, $0xb8;
	[tilespmem:$0x19200] =	vst v63  }
0x131: {  	s31 =	simm.s32 $0xF200  }
0x132: {  	[tilespmem:s31], [sflag:$0x3] =	stream.indirect_vreg.gather [hbm4b:s5+s3], $0x80, v3, vm0, $0xb8;
	[tilespmem:$0x19200] =	vst v63  }
0x133: {  	s31 =	simm.s32 $0xFA00  }
0x134: {  	[tilespmem:s31], [sflag:$0x3] =	stream.indirect_vreg.gather [hbm4b:s6+s3], $0x80, v3, vm0, $0xb8;
	[tilespmem:$0x19200] =	vst v63  }
0x135: {  	v3 =	vld [tilespmem:s19+$0xFFFFFFE0];
	_ =	sdelay $0x4  }
0x136: {  	v61 =	vshrl.u32 v3, $0x3  }
0x137: {  	v4 =	vmul.u32 $0x30, v61  }
0x138: {  	v3 =	vand.u32 $0x7, v3  }
0x139: {  	v3 =	vor.u32 v3, v4  }
0x13a: {  	v4 =	vperm.xlane v3, v0;
	_ =	sdelay $0x1  }
0x13b: {  	v4 =	vadd.s32 v1, v4;
	_ =	sdelay $0x3  }
0x13c: {  	s31 =	simm.s32 $0x10200;
	v3 =	vperm.xlane v3, v2  }
0x13d: {  	[tilespmem:s31], [sflag:$0x3] =	stream.indirect_vreg.gather [hbm4b:s2+s3], $0x80, v4, vm0, $0xb8;
	[tilespmem:$0x19200] =	vst v63  }
0x13e: {  	v3 =	vadd.s32 v1, v3;
	s31 =	simm.s32 $0x10A00  }
0x13f: {  	[tilespmem:s31], [sflag:$0x3] =	stream.indirect_vreg.gather [hbm4b:s5+s3], $0x80, v4, vm0, $0xb8;
	[tilespmem:$0x19200] =	vst v63  }
0x140: {  	s31 =	simm.s32 $0x11200  }
0x141: {  	[tilespmem:s31], [sflag:$0x3] =	stream.indirect_vreg.gather [hbm4b:s6+s3], $0x80, v4, vm0, $0xb8;
	[tilespmem:$0x19200] =	vst v63  }
0x142: {  	s31 =	simm.s32 $0x11A00  }
0x143: {  	[tilespmem:s31], [sflag:$0x3] =	stream.indirect_vreg.gather [hbm4b:s2+s3], $0x80, v3, vm0, $0xb8;
	[tilespmem:$0x19200] =	vst v63  }
0x144: {  	s31 =	simm.s32 $0x12200  }
0x145: {  	[tilespmem:s31], [sflag:$0x3] =	stream.indirect_vreg.gather [hbm4b:s5+s3], $0x80, v3, vm0, $0xb8;
	[tilespmem:$0x19200] =	vst v63  }
0x146: {  	s31 =	simm.s32 $0x12A00  }
0x147: {  	[tilespmem:s31], [sflag:$0x3] =	stream.indirect_vreg.gather [hbm4b:s6+s3], $0x80, v3, vm0, $0xb8;
	[tilespmem:$0x19200] =	vst v63  }
0x148: {  	_ =	swait.ge [sflag:s23], $0x6000  }
0x149: {  	s31 =	rddreg [dreg:$0x4];
	[sflag:s23] =	ssyncset.done $0x0  }
0x14a: {  	[sflag:s23] =	ssyncadd.s32 $0xFFFFA000;
	s21 =	sadd.s32 s20, s31  }
0x14b: {  	[hbm4b:s21+s3] =	stream.linear.scatter [tilespmem:s25], [sflag:$0x5], $0x6000, $0x38;
	[tilespmem:$0x19200] =	vst v63  }
0x14c: {  	_ =	swait.ge [sflag:s18], $0x6000  }
0x14d: {  	[sflag:s18] =	ssyncset.done $0x0  }
0x14e: {  	[sflag:s18] =	ssyncadd.s32 $0xFFFFA000  }
0x14f: {  	v3 =	vld [tilespmem:s19+$0xFFFFFFF0];
	_ =	sdelay $0x4  }
0x150: {  	v62 =	vshrl.u32 v3, $0x3  }
0x151: {  	v4 =	vmul.u32 $0x30, v62  }
0x152: {  	v3 =	vand.u32 $0x7, v3  }
0x153: {  	v3 =	vor.u32 v3, v4  }
0x154: {  	v4 =	vperm.xlane v3, v0;
	_ =	sdelay $0x1  }
0x155: {  	v4 =	vadd.s32 v1, v4;
	_ =	sdelay $0x3  }
0x156: {  	v3 =	vperm.xlane v3, v2  }
0x157: {  	[tilespmem:s24], [sflag:$0x4] =	stream.indirect_vreg.gather [hbm4b:s2+s3], $0x80, v4, vm0, $0xb8;
	[tilespmem:$0x19200] =	vst v63  }
0x158: {  	s31 =	simm.s32 $0x13A00;
	v3 =	vadd.s32 v1, v3  }
0x159: {  	[tilespmem:s31], [sflag:$0x4] =	stream.indirect_vreg.gather [hbm4b:s5+s3], $0x80, v4, vm0, $0xb8;
	[tilespmem:$0x19200] =	vst v63  }
0x15a: {  	s31 =	simm.s32 $0x14200  }
0x15b: {  	[tilespmem:s31], [sflag:$0x4] =	stream.indirect_vreg.gather [hbm4b:s6+s3], $0x80, v4, vm0, $0xb8;
	[tilespmem:$0x19200] =	vst v63  }
0x15c: {  	s31 =	simm.s32 $0x14A00  }
0x15d: {  	[tilespmem:s31], [sflag:$0x4] =	stream.indirect_vreg.gather [hbm4b:s2+s3], $0x80, v3, vm0, $0xb8;
	[tilespmem:$0x19200] =	vst v63  }
0x15e: {  	s31 =	simm.s32 $0x15200  }
0x15f: {  	[tilespmem:s31], [sflag:$0x4] =	stream.indirect_vreg.gather [hbm4b:s5+s3], $0x80, v3, vm0, $0xb8;
	[tilespmem:$0x19200] =	vst v63  }
0x160: {  	s31 =	simm.s32 $0x15A00  }
0x161: {  	[tilespmem:s31], [sflag:$0x4] =	stream.indirect_vreg.gather [hbm4b:s6+s3], $0x80, v3, vm0, $0xb8;
	[tilespmem:$0x19200] =	vst v63  }
0x162: {  	v3 =	vld [tilespmem:s19+$0x0];
	_ =	sdelay $0x4  }
0x163: {  	v63 =	vshrl.u32 v3, $0x3  }
0x164: {  	v4 =	vmul.u32 $0x30, v63  }
0x165: {  	v3 =	vand.u32 $0x7, v3  }
0x166: {  	v3 =	vor.u32 v3, v4  }
0x167: {  	v4 =	vperm.xlane v3, v0;
	_ =	sdelay $0x1  }
0x168: {  	v4 =	vadd.s32 v1, v4;
	_ =	sdelay $0x3  }
0x169: {  	s31 =	simm.s32 $0x16200;
	v3 =	vperm.xlane v3, v2  }
0x16a: {  	[tilespmem:s31], [sflag:$0x4] =	stream.indirect_vreg.gather [hbm4b:s2+s3], $0x80, v4, vm0, $0xb8;
	[tilespmem:$0x19200] =	vst v63  }
0x16b: {  	v3 =	vadd.s32 v1, v3;
	s31 =	simm.s32 $0x16A00  }
0x16c: {  	[tilespmem:s31], [sflag:$0x4] =	stream.indirect_vreg.gather [hbm4b:s5+s3], $0x80, v4, vm0, $0xb8;
	[tilespmem:$0x19200] =	vst v63  }
0x16d: {  	s31 =	simm.s32 $0x17200  }
0x16e: {  	[tilespmem:s31], [sflag:$0x4] =	stream.indirect_vreg.gather [hbm4b:s6+s3], $0x80, v4, vm0, $0xb8;
	[tilespmem:$0x19200] =	vst v63  }
0x16f: {  	s31 =	simm.s32 $0x17A00  }
0x170: {  	[tilespmem:s31], [sflag:$0x4] =	stream.indirect_vreg.gather [hbm4b:s2+s3], $0x80, v3, vm0, $0xb8;
	[tilespmem:$0x19200] =	vst v63  }
0x171: {  	s31 =	simm.s32 $0x18200  }
0x172: {  	[tilespmem:s31], [sflag:$0x4] =	stream.indirect_vreg.gather [hbm4b:s5+s3], $0x80, v3, vm0, $0xb8;
	[tilespmem:$0x19200] =	vst v63  }
0x173: {  	p0 =	sne.s32 s20, $0x66000;
	s31 =	simm.s32 $0x18A00  }
0x174: {  	[tilespmem:s31], [sflag:$0x4] =	stream.indirect_vreg.gather [hbm4b:s6+s3], $0x80, v3, vm0, $0xb8;
	[tilespmem:$0x19200] =	vst v63  }
.Ltmp0:
0x175: {  	_ =	swait.ge [sflag:s7], $0x6000;
	(pc) =	sbr.rel @p0 .LBB2_2-.Ltmp0, $4  }
0x176: {  	s31 =	rddreg [dreg:$0x5];
	[sflag:s7] =	ssyncset.done $0x0  }
0x177: {  	s29 =	simm.s32 $0xD200;
	[sflag:s7] =	ssyncadd.s32 $0xFFFFA000;
	s21 =	sadd.s32 s20, s31  }
0x178: {  	[hbm4b:s21+s3] =	stream.linear.scatter [tilespmem:s11], [sflag:$0x6], $0x6000, $0x38;
	[tilespmem:$0x19200] =	vst v63  }
0x179: {  	s19 =	sadd.s32 $0x80, s19;
	s20 =	sadd.s32 $0x3000, s20;
	s21 =	simm.s32 $0x1A00  }
0x17a: {  	_ =	swait.ge [sflag:s14], $0x6000  }
0x17b: {  	[sflag:s14] =	ssyncset.done $0x0  }
0x17c: {  	s19 =	rddreg [dreg:$0xb];
	[sflag:s14] =	ssyncadd.s32 $0xFFFFA000  }
0x17d: {  	[hbm4b:s19+s3] =	stream.linear.scatter [tilespmem:s29], [sflag:$0x7], $0x6000, $0x38;
	[tilespmem:$0x19200] =	vst v63  }
0x17e: {  	_ =	swait.ge [sflag:s16], $0x6000  }
0x17f: {  	[sflag:s16] =	ssyncset.done $0x0  }
0x180: {  	s25 =	rddreg [dreg:$0xc];
	[sflag:s16] =	ssyncadd.s32 $0xFFFFA000  }
0x181: {  	[hbm4b:s25+s3] =	stream.linear.scatter [tilespmem:s24], [sflag:$0x8], $0x6000, $0x38;
	[tilespmem:$0x19200] =	vst v63  }
0x182: {  	_ =	swait.ge [sflag:s12], $0x6000  }
0x183: {  	[sflag:s12] =	ssyncset.done $0x0  }
0x184: {  	[sflag:s12] =	ssyncadd.s32 $0xFFFFA000  }
0x185: {  	_ =	swait.ge [sflag:s15], $0x6000  }
0x186: {  	[sflag:s15] =	ssyncset.done $0x0  }
0x187: {  	[sflag:s15] =	ssyncadd.s32 $0xFFFFA000  }
0x188: {  	_ =	swait.ge [sflag:s17], $0x6000  }
0x189: {  	[sflag:s17] =	ssyncset.done $0x0  }
0x18a: {  	[sflag:s17] =	ssyncadd.s32 $0xFFFFA000  }
0x18b: {  	_ =	swait.ge [sflag:s18], $0x6000  }
0x18c: {  	s20 =	simm.s32 $0x2200;
	s0 =	rddreg [dreg:$0xe]  }
0x18d: {  	s22 =	simm.s32 $0x2A00;
	s26 =	rddreg [dreg:$0xd];
	s0 =	sadd.s32 $0x1, s0  }
0x18e: {  	s28 =	simm.s32 $0x3A00;
	s30 =	simm.s32 $0x4A00;
	p0 =	sne.s32 s0, s26  }
.Ltmp1:
0x18f: {  	s1 =	simm.s32 $0x5200;
	s4 =	simm.s32 $0x6200;
	(pc) =	sbr.rel @p0 .LBB2_1-.Ltmp1, $4  }
0x190: {  	s8 =	simm.s32 $0x6A00;
	s9 =	simm.s32 $0x7A00;
	s10 =	simm.s32 $0x8200  }
0x191: {  	s13 =	simm.s32 $0x8A00;
	s31 =	simm.s32 $0x1200;
	[sflag:s18] =	ssyncset.done $0x0  }
0x192: {  	s11 =	simm.s32 $0x9200;
	s25 =	simm.s32 $0x4200;
	[sflag:s18] =	ssyncadd.s32 $0xFFFFA000  }
0x193: {  	[dreg:$0xe] =	wrdreg s0;
	s26 =	simm.s32 $0x3200;
	s0 =	simm.s32 $0x5A00  }
0x194: {  	_ =	sfence.sel $0x180000  }
0x195: {  	[bflag:$0x0] =	sbarrier.arrive $0xFFFF  }
0x196: {  	_ =	strace $0x90000047  }
0x197: {  	s0 =	stileid.u32;
	[bflag:$0x2] =	sbarrier.arrive $0xFFFF  }
0x198: {  	p0 =	sne.s32 s0, $0x0;
	s0 =	rddreg [dreg:$0x3]  }
0x199: {  	s0 =	sadd.s32 @!p0 $0x100000, s0  }
0x19a: {  	[sflag:s0] =	ssyncadd.tile.s32 @!p0 $0x1;
	_ =	shalt  }
.Lfunc_end2:
_tile_overlayer_lowered:
.L_overlay_start_2:
0x19b: {  	(tag) =	ssettag $0x2  }
0x19c: {  	s0 =	rddreg [dreg:$0x0];
	s2 =	stileid.u32  }
0x19d: {  	s1 =	rddreg [dreg:$0x1];
	p0 =	sne.s32 s2, $0x0  }
0x19e: {  	s3 =	rddreg [dreg:$0x2];
	[bflag:$0x3] =	sbarrier.arrive $0xFFFF;
	s2 =	simm.s32 @!p0 $0x1C09  }
0x19f: {  	[timem:s3], [sflag:s2] =	dma.local @!p0 [hbm:s0], s1  }
0x1a0: {  	s0 =	simm.s32 @!p0 $0x9  }
0x1a1: {  	_ =	swait.ge @!p0 [sflag:s0], s1  }
0x1a2: {  	s1 =	ssub.s32 @!p0 $0x0, s1;
	[sflag:s0] =	ssyncset.done @!p0 $0x0  }
0x1a3: {  	[sflag:s0] =	ssyncadd.s32 @!p0 s1  }
0x1a4: {  	[bflag:$0x3] =	sbarrier.arrive $0xFFFF  }
0x1a5: {  	_ =	shalt  }

</sc_bundles>
